<compile_context>
chip_gen: v7x
topology: tpu7x:2x2x1
jax: 0.10.2.dev20260603
libtpu: 0.0.44.dev20260713+nightly
codegen_flags: <defaults>
</compile_context>

<pallas_src>
import functools

import jax
import jax.numpy as jnp
from jax import lax
from jax.experimental import pallas as pl
from jax.experimental.pallas import tpu as pltpu
from jax.experimental.pallas import tpu_sc as plsc

N = 10000
E = 320000
D = 128

_NC = 2
_NS = 16
_NW = _NC * _NS
_EPW = E // _NW
_L = 16

_NPT = 640
_NH = 320
_sc_mesh = plsc.VectorSubcoreMesh(
    core_axis_name="c", subcore_axis_name="s", num_cores=_NC, num_subcores=_NS
)


@functools.partial(
    pl.kernel,
    out_type=jax.ShapeDtypeStruct((E,), jnp.float32),
    mesh=_sc_mesh,
    compiler_params=pltpu.CompilerParams(needs_layout_passes=False),
    scratch_types=[
        pltpu.VMEM((_NH, D), jnp.float32),
        pltpu.VMEM((2 * D,), jnp.float32),
        pltpu.VMEM((2 * _NPT,), jnp.float32),
        pltpu.VMEM((2 * N,), jnp.float32),
        pltpu.VMEM((_EPW,), jnp.int32),
        pltpu.VMEM((_EPW,), jnp.int32),
        pltpu.VMEM((_EPW,), jnp.float32),
        pltpu.VMEM_SHARED((2 * N,), jnp.float32),
    ],
)
def _sc_gather(node_hbm, w12_hbm, src_hbm, dst_hbm, out_hbm,
               nodes_v, w_v, stl_v, st_v, src_v, dst_v, g_v, st_sh):
    tid = lax.axis_index("s")
    wid = tid * _NC + lax.axis_index("c")
    nbase = jnp.minimum(tid * _NPT, N - _NPT)
    ebase = wid * _EPW

    pltpu.sync_copy(w12_hbm, w_v)
    pltpu.sync_copy(src_hbm.at[pl.ds(ebase, _EPW)], src_v)
    pltpu.sync_copy(dst_hbm.at[pl.ds(ebase, _EPW)], dst_v)

    lanes = lax.iota(jnp.int32, _L)

    for h in range(_NPT // _NH):
        pltpu.sync_copy(node_hbm.at[pl.ds(nbase + h * _NH, _NH)], nodes_v)

        def chunk(c, carry):
            rows = c * _L + lanes

            def feat(d, accs):
                acc_s, acc_t = accs
                dv = jnp.zeros((_L,), jnp.int32) + d
                col = plsc.load_gather(nodes_v, [rows, dv])
                w1d = plsc.load_gather(w_v, [dv])
                w2d = plsc.load_gather(w_v, [dv + D])
                return (acc_s + col * w1d, acc_t + col * w2d)

            z = jnp.zeros((_L,), jnp.float32)
            acc_s, acc_t = lax.fori_loop(0, D, feat, (z, z), unroll=4)
            loc = (h * _NH + c * _L) + lanes
            plsc.store_scatter(stl_v, [2 * loc], acc_s)
            plsc.store_scatter(stl_v, [2 * loc + 1], acc_t)
            return carry

        lax.fori_loop(0, _NH // _L, chunk, 0)

    pltpu.sync_copy(stl_v, st_sh.at[pl.ds(2 * nbase, 2 * _NPT)])
    plsc.subcore_barrier()
    pltpu.sync_copy(st_sh, st_v)

    def body(i, carry):
        sl = pl.ds(i * _L, _L)
        si = src_v[sl]
        di = dst_v[sl]
        g = plsc.load_gather(st_v, [si * 2]) + plsc.load_gather(st_v, [di * 2 + 1])
        g_v[sl] = g
        return carry

    lax.fori_loop(0, _EPW // _L, body, 0, unroll=4)
    pltpu.sync_copy(g_v, out_hbm.at[pl.ds(ebase, _EPW)])


_Q = 5
_M = E // _Q
_MB = 12800


def _decode_body(eh_ref, w_ref, b_ref, o_ref):
    o_ref[...] = jnp.sum(eh_ref[...] * w_ref[...], axis=-1) + b_ref[0, 0]


def _edge_decode(edge_hidden3, w0row, b):
    return pl.pallas_call(
        _decode_body,
        grid=(_M // _MB,),
        compiler_params=pltpu.CompilerParams(vmem_limit_bytes=100 * 1024 * 1024),
        in_specs=[
            pl.BlockSpec((_Q, _MB, D), lambda i: (0, i, 0)),
            pl.BlockSpec((1, 1, D), lambda i: (0, 0, 0)),
            pl.BlockSpec(memory_space=pltpu.SMEM),
        ],
        out_specs=pl.BlockSpec((_Q, _MB), lambda i: (0, i)),
        out_shape=jax.ShapeDtypeStruct((_Q, _M), jnp.float32),
    )(edge_hidden3, w0row, b)


def _combine_body(a_ref, g_ref, o_ref):
    o_ref[...] = a_ref[...] + g_ref[...]


def _combine(edgedot, g):
    return pl.pallas_call(
        _combine_body,
        out_shape=jax.ShapeDtypeStruct((_Q, _M), jnp.float32),
    )(edgedot, g)


def kernel(node_hidden, edge_hidden, edge_index, W, b):
    src = edge_index[0].astype(jnp.int32)
    dst = edge_index[1].astype(jnp.int32)
    w0 = W[:D]
    w12 = W[D:].reshape(2 * D)

    g = _sc_gather(node_hidden, w12, src, dst).reshape(_Q, _M)
    eh3 = edge_hidden.reshape(_Q, _M, D)
    edgedot = _edge_decode(eh3, w0.reshape(1, 1, D), b.reshape(1, 1))
    return _combine(edgedot, g).reshape(E, 1)

# --- scband reference (transcript-rebuilt; emitter-appended) ---
"""Pipeline reference for scband-decoder-11922829214033 (READ-ONLY COPY).

The authoritative reference and input builder live on the scoring server;
editing this copy changes nothing except your own understanding.
"""

import jax, jax.numpy as jnp
import numpy as np


def setup_inputs(seed: int = 0) -> dict:
    key = jax.random.key(seed)
    k1, k2, k3, k4, k5 = jax.random.split(key, 5)
    N, E, D = 10000, 320000, 128
    node_hidden = jax.random.normal(k1, (N, D), dtype=jnp.float32)
    edge_hidden = jax.random.normal(k2, (E, D), dtype=jnp.float32)
    edge_index = jax.random.randint(k3, (2, E), 0, N, dtype=jnp.int64)
    # nn.Linear(3*D, 1): weight [1, 3*D], bias [1]; store W as [3*D, 1] for x @ W
    bound = 1.0 / np.sqrt(3 * D)
    W = jax.random.uniform(k4, (3 * D, 1), dtype=jnp.float32, minval=-bound, maxval=bound)
    b = jax.random.uniform(k5, (1,), dtype=jnp.float32, minval=-bound, maxval=bound)
    return {"node_hidden": node_hidden, "edge_hidden": edge_hidden, "edge_index": edge_index, "W": W, "b": b}


def reference(node_hidden, edge_hidden, edge_index, W, b):
    edge_src_idx = edge_index[0]
    edge_dst_idx = edge_index[1]
    edge_src_hidden = jnp.take(node_hidden, edge_src_idx, axis=0)
    edge_dst_hidden = jnp.take(node_hidden, edge_dst_idx, axis=0)
    concatenated_hidden = jnp.concatenate([edge_hidden, edge_src_hidden, edge_dst_hidden], axis=-1)
    return concatenated_hidden @ W + b

if __name__ == "__main__":
    import jax
    _d = setup_inputs()
    print(jax.jit(kernel)(*tuple(_d.values())))

</pallas_src>

<mosaic_0001>
#map = affine_map<(d0, d1) -> (0, 0)>
#map1 = affine_map<(d0, d1) -> (0)>
module attributes {stable_mosaic.version = 14 : i64} {
  func.func @_sc_gather(%arg0: i32, %arg1: i32, %arg2: memref<10000x128xf32, #tpu.memory_space<hbm>>, %arg3: memref<256xf32, #tpu.memory_space<hbm>>, %arg4: memref<320000xi32, #tpu.memory_space<hbm>>, %arg5: memref<320000xi32, #tpu.memory_space<hbm>>, %arg6: memref<320000xf32, #tpu.memory_space<hbm>>, %arg7: memref<320x128xf32, #tpu.memory_space<vmem>>, %arg8: memref<256xf32, #tpu.memory_space<vmem>>, %arg9: memref<1280xf32, #tpu.memory_space<vmem>>, %arg10: memref<20000xf32, #tpu.memory_space<vmem>>, %arg11: memref<10000xi32, #tpu.memory_space<vmem>>, %arg12: memref<10000xi32, #tpu.memory_space<vmem>>, %arg13: memref<10000xf32, #tpu.memory_space<vmem>>, %arg14: memref<20000xf32, #tpu.memory_space<vmem_shared>>) attributes {dimension_semantics = [#tpu.dimension_semantics<core_parallel>, #tpu.dimension_semantics<subcore_parallel>], iteration_bounds = array<i64: 2, 16>, scalar_prefetch = 0 : i64, scratch_operands = 8 : i64, tpu.core_type = #tpu.core_type<sc_vector_subcore>, window_params = [{transform_indices = #map}, {transform_indices = #map1}, {transform_indices = #map1}, {transform_indices = #map1}, {transform_indices = #map1}]} {
    %mul3A = arith.constant 2 : i32
    %mul3A_0 = arith.muli %arg1, %mul3A : i32
    %add3A = arith.addi %mul3A_0, %arg0 : i32
    %mul3A_1 = arith.constant 640 : i32
    %mul3A_2 = arith.muli %arg1, %mul3A_1 : i32
    %min3A = arith.constant 9360 : i32
    %min3A_3 = arith.minsi %mul3A_2, %min3A : i32
    %mul3A_4 = arith.constant 10000 : i32
    %mul3A_5 = arith.muli %add3A, %mul3A_4 : i32
    "tpu.region"() ({
      %run_scoped3A = tpu.sem_alloc : memref<!tpu.dma_semaphore, #tpu.memory_space<semaphore_mem>>
      tpu.enqueue_dma source(%arg3 : memref<256xf32, #tpu.memory_space<hbm>>) target(%arg8 : memref<256xf32, #tpu.memory_space<vmem>>) target_semaphore(%run_scoped3A : memref<!tpu.dma_semaphore, #tpu.memory_space<semaphore_mem>>)
      tpu.wait_dma2 semaphore(%run_scoped3A : memref<!tpu.dma_semaphore, #tpu.memory_space<semaphore_mem>>) src(%arg3 : memref<256xf32, #tpu.memory_space<hbm>>) dst(%arg8 : memref<256xf32, #tpu.memory_space<vmem>>)
      tpu.yield
    }) : () -> ()
    "tpu.region"() ({
      %run_scoped3A = tpu.sem_alloc : memref<!tpu.dma_semaphore, #tpu.memory_space<semaphore_mem>>
      %dma_start3A = tpu.memref_slice %arg4[%mul3A_5] : memref<320000xi32, #tpu.memory_space<hbm>> -> memref<10000xi32, #tpu.memory_space<hbm>>
      %dma_start3A_48 = tpu.memref_slice %arg4[%mul3A_5] : memref<320000xi32, #tpu.memory_space<hbm>> -> memref<10000xi32, #tpu.memory_space<hbm>>
      tpu.enqueue_dma source(%dma_start3A_48 : memref<10000xi32, #tpu.memory_space<hbm>>) target(%arg11 : memref<10000xi32, #tpu.memory_space<vmem>>) target_semaphore(%run_scoped3A : memref<!tpu.dma_semaphore, #tpu.memory_space<semaphore_mem>>)
      %dma_wait3A = tpu.memref_slice %arg4[%mul3A_5] : memref<320000xi32, #tpu.memory_space<hbm>> -> memref<10000xi32, #tpu.memory_space<hbm>>
      %dma_wait3A_49 = tpu.memref_slice %arg4[%mul3A_5] : memref<320000xi32, #tpu.memory_space<hbm>> -> memref<10000xi32, #tpu.memory_space<hbm>>
      tpu.wait_dma2 semaphore(%run_scoped3A : memref<!tpu.dma_semaphore, #tpu.memory_space<semaphore_mem>>) src(%dma_wait3A_49 : memref<10000xi32, #tpu.memory_space<hbm>>) dst(%arg11 : memref<10000xi32, #tpu.memory_space<vmem>>)
      tpu.yield
    }) : () -> ()
    "tpu.region"() ({
      %run_scoped3A = tpu.sem_alloc : memref<!tpu.dma_semaphore, #tpu.memory_space<semaphore_mem>>
      %dma_start3A = tpu.memref_slice %arg5[%mul3A_5] : memref<320000xi32, #tpu.memory_space<hbm>> -> memref<10000xi32, #tpu.memory_space<hbm>>
      %dma_start3A_48 = tpu.memref_slice %arg5[%mul3A_5] : memref<320000xi32, #tpu.memory_space<hbm>> -> memref<10000xi32, #tpu.memory_space<hbm>>
      tpu.enqueue_dma source(%dma_start3A_48 : memref<10000xi32, #tpu.memory_space<hbm>>) target(%arg12 : memref<10000xi32, #tpu.memory_space<vmem>>) target_semaphore(%run_scoped3A : memref<!tpu.dma_semaphore, #tpu.memory_space<semaphore_mem>>)
      %dma_wait3A = tpu.memref_slice %arg5[%mul3A_5] : memref<320000xi32, #tpu.memory_space<hbm>> -> memref<10000xi32, #tpu.memory_space<hbm>>
      %dma_wait3A_49 = tpu.memref_slice %arg5[%mul3A_5] : memref<320000xi32, #tpu.memory_space<hbm>> -> memref<10000xi32, #tpu.memory_space<hbm>>
      tpu.wait_dma2 semaphore(%run_scoped3A : memref<!tpu.dma_semaphore, #tpu.memory_space<semaphore_mem>>) src(%dma_wait3A_49 : memref<10000xi32, #tpu.memory_space<hbm>>) dst(%arg12 : memref<10000xi32, #tpu.memory_space<vmem>>)
      tpu.yield
    }) : () -> ()
    %iota3A = tpu.iota {dimensions = array<i32: 0>} : vector<16xi32>
    %add3A_6 = arith.constant 0 : i32
    %add3A_7 = arith.addi %min3A_3, %add3A_6 : i32
    "tpu.region"() ({
      %run_scoped3A = tpu.sem_alloc : memref<!tpu.dma_semaphore, #tpu.memory_space<semaphore_mem>>
      %dma_start3A = arith.constant 0 : i32
      %dma_start3A_48 = tpu.memref_slice %arg2[%add3A_7, %dma_start3A] : memref<10000x128xf32, #tpu.memory_space<hbm>> -> memref<320x128xf32, #tpu.memory_space<hbm>>
      %dma_start3A_49 = arith.constant 0 : i32
      %dma_start3A_50 = tpu.memref_slice %arg2[%add3A_7, %dma_start3A_49] : memref<10000x128xf32, #tpu.memory_space<hbm>> -> memref<320x128xf32, #tpu.memory_space<hbm>>
      tpu.enqueue_dma source(%dma_start3A_50 : memref<320x128xf32, #tpu.memory_space<hbm>>) target(%arg7 : memref<320x128xf32, #tpu.memory_space<vmem>>) target_semaphore(%run_scoped3A : memref<!tpu.dma_semaphore, #tpu.memory_space<semaphore_mem>>)
      %dma_wait3A = arith.constant 0 : i32
      %dma_wait3A_51 = tpu.memref_slice %arg2[%add3A_7, %dma_wait3A] : memref<10000x128xf32, #tpu.memory_space<hbm>> -> memref<320x128xf32, #tpu.memory_space<hbm>>
      %dma_wait3A_52 = arith.constant 0 : i32
      %dma_wait3A_53 = tpu.memref_slice %arg2[%add3A_7, %dma_wait3A_52] : memref<10000x128xf32, #tpu.memory_space<hbm>> -> memref<320x128xf32, #tpu.memory_space<hbm>>
      tpu.wait_dma2 semaphore(%run_scoped3A : memref<!tpu.dma_semaphore, #tpu.memory_space<semaphore_mem>>) src(%dma_wait3A_53 : memref<320x128xf32, #tpu.memory_space<hbm>>) dst(%arg7 : memref<320x128xf32, #tpu.memory_space<vmem>>)
      tpu.yield
    }) : () -> ()
    %scan3A = arith.constant 0 : i32
    %scan3A_8 = arith.constant 0 : i32
    %scan3A_9 = arith.constant 20 : i32
    %scan3A_10 = arith.addi %scan3A_8, %scan3A_9 : i32
    %scan3A_11 = arith.constant 1 : i32
    scf.for %scan3A_48 = %scan3A_8 to %scan3A_10 step %scan3A_11  : i32 {
      %mul3A_49 = arith.constant 16 : i32
      %mul3A_50 = arith.muli %scan3A_48, %mul3A_49 : i32
      %add3A_51 = vector.broadcast %mul3A_50 : i32 to vector<16xi32>
      %add3A_52 = arith.addi %add3A_51, %iota3A : vector<16xi32>
      %broadcast_in_dim3A = arith.constant 0.000000e+00 : f32
      %broadcast_in_dim3A_53 = vector.broadcast %broadcast_in_dim3A : f32 to vector<16xf32>
      %scan3A_54 = arith.constant 0 : i32
      %scan3A_55 = arith.constant 128 : i32
      %scan3A_56 = arith.addi %scan3A_54, %scan3A_55 : i32
      %scan3A_57 = arith.constant 4 : i32
      %scan3A_58:2 = scf.for %scan3A_75 = %scan3A_54 to %scan3A_56 step %scan3A_57 iter_args(%scan3A_76 = %broadcast_in_dim3A_53, %scan3A_77 = %broadcast_in_dim3A_53) -> (vector<16xf32>, vector<16xf32>)  : i32 {
        %broadcast_in_dim3A_78 = arith.constant 0 : i32
        %broadcast_in_dim3A_79 = vector.broadcast %broadcast_in_dim3A_78 : i32 to vector<16xi32>
        %add3A_80 = vector.broadcast %scan3A_75 : i32 to vector<16xi32>
        %add3A_81 = arith.addi %broadcast_in_dim3A_79, %add3A_80 : vector<16xi32>
        %gather3A_82 = tpu.vector_load_idx %arg7[%add3A_52, %add3A_81] : memref<320x128xf32, #tpu.memory_space<vmem>>[vector<16xi32>, vector<16xi32>], vector<16xf32>,
        %gather3A_83 = tpu.vector_load_idx %arg8[%add3A_81] : memref<256xf32, #tpu.memory_space<vmem>>[vector<16xi32>], vector<16xf32>,
        %add3A_84 = arith.constant 128 : i32
        %add3A_85 = vector.broadcast %add3A_84 : i32 to vector<16xi32>
        %add3A_86 = arith.addi %add3A_81, %add3A_85 : vector<16xi32>
        %gather3A_87 = tpu.vector_load_idx %arg8[%add3A_86] : memref<256xf32, #tpu.memory_space<vmem>>[vector<16xi32>], vector<16xf32>,
        %mul3A_88 = arith.mulf %gather3A_82, %gather3A_83 : vector<16xf32>
        %add3A_89 = arith.addf %scan3A_76, %mul3A_88 : vector<16xf32>
        %mul3A_90 = arith.mulf %gather3A_82, %gather3A_87 : vector<16xf32>
        %add3A_91 = arith.addf %scan3A_77, %mul3A_90 : vector<16xf32>
        %scan3A_92 = arith.constant 1 : i32
        %scan3A_93 = arith.addi %scan3A_75, %scan3A_92 : i32
        %broadcast_in_dim3A_94 = arith.constant 0 : i32
        %broadcast_in_dim3A_95 = vector.broadcast %broadcast_in_dim3A_94 : i32 to vector<16xi32>
        %add3A_96 = vector.broadcast %scan3A_93 : i32 to vector<16xi32>
        %add3A_97 = arith.addi %broadcast_in_dim3A_95, %add3A_96 : vector<16xi32>
        %gather3A_98 = tpu.vector_load_idx %arg7[%add3A_52, %add3A_97] : memref<320x128xf32, #tpu.memory_space<vmem>>[vector<16xi32>, vector<16xi32>], vector<16xf32>,
        %gather3A_99 = tpu.vector_load_idx %arg8[%add3A_97] : memref<256xf32, #tpu.memory_space<vmem>>[vector<16xi32>], vector<16xf32>,
        %add3A_100 = arith.constant 128 : i32
        %add3A_101 = vector.broadcast %add3A_100 : i32 to vector<16xi32>
        %add3A_102 = arith.addi %add3A_97, %add3A_101 : vector<16xi32>
        %gather3A_103 = tpu.vector_load_idx %arg8[%add3A_102] : memref<256xf32, #tpu.memory_space<vmem>>[vector<16xi32>], vector<16xf32>,
        %mul3A_104 = arith.mulf %gather3A_98, %gather3A_99 : vector<16xf32>
        %add3A_105 = arith.addf %add3A_89, %mul3A_104 : vector<16xf32>
        %mul3A_106 = arith.mulf %gather3A_98, %gather3A_103 : vector<16xf32>
        %add3A_107 = arith.addf %add3A_91, %mul3A_106 : vector<16xf32>
        %scan3A_108 = arith.constant 2 : i32
        %scan3A_109 = arith.addi %scan3A_75, %scan3A_108 : i32
        %broadcast_in_dim3A_110 = arith.constant 0 : i32
        %broadcast_in_dim3A_111 = vector.broadcast %broadcast_in_dim3A_110 : i32 to vector<16xi32>
        %add3A_112 = vector.broadcast %scan3A_109 : i32 to vector<16xi32>
        %add3A_113 = arith.addi %broadcast_in_dim3A_111, %add3A_112 : vector<16xi32>
        %gather3A_114 = tpu.vector_load_idx %arg7[%add3A_52, %add3A_113] : memref<320x128xf32, #tpu.memory_space<vmem>>[vector<16xi32>, vector<16xi32>], vector<16xf32>,
        %gather3A_115 = tpu.vector_load_idx %arg8[%add3A_113] : memref<256xf32, #tpu.memory_space<vmem>>[vector<16xi32>], vector<16xf32>,
        %add3A_116 = arith.constant 128 : i32
        %add3A_117 = vector.broadcast %add3A_116 : i32 to vector<16xi32>
        %add3A_118 = arith.addi %add3A_113, %add3A_117 : vector<16xi32>
        %gather3A_119 = tpu.vector_load_idx %arg8[%add3A_118] : memref<256xf32, #tpu.memory_space<vmem>>[vector<16xi32>], vector<16xf32>,
        %mul3A_120 = arith.mulf %gather3A_114, %gather3A_115 : vector<16xf32>
        %add3A_121 = arith.addf %add3A_105, %mul3A_120 : vector<16xf32>
        %mul3A_122 = arith.mulf %gather3A_114, %gather3A_119 : vector<16xf32>
        %add3A_123 = arith.addf %add3A_107, %mul3A_122 : vector<16xf32>
        %scan3A_124 = arith.constant 3 : i32
        %scan3A_125 = arith.addi %scan3A_75, %scan3A_124 : i32
        %broadcast_in_dim3A_126 = arith.constant 0 : i32
        %broadcast_in_dim3A_127 = vector.broadcast %broadcast_in_dim3A_126 : i32 to vector<16xi32>
        %add3A_128 = vector.broadcast %scan3A_125 : i32 to vector<16xi32>
        %add3A_129 = arith.addi %broadcast_in_dim3A_127, %add3A_128 : vector<16xi32>
        %gather3A_130 = tpu.vector_load_idx %arg7[%add3A_52, %add3A_129] : memref<320x128xf32, #tpu.memory_space<vmem>>[vector<16xi32>, vector<16xi32>], vector<16xf32>,
        %gather3A_131 = tpu.vector_load_idx %arg8[%add3A_129] : memref<256xf32, #tpu.memory_space<vmem>>[vector<16xi32>], vector<16xf32>,
        %add3A_132 = arith.constant 128 : i32
        %add3A_133 = vector.broadcast %add3A_132 : i32 to vector<16xi32>
        %add3A_134 = arith.addi %add3A_129, %add3A_133 : vector<16xi32>
        %gather3A_135 = tpu.vector_load_idx %arg8[%add3A_134] : memref<256xf32, #tpu.memory_space<vmem>>[vector<16xi32>], vector<16xf32>,
        %mul3A_136 = arith.mulf %gather3A_130, %gather3A_131 : vector<16xf32>
        %add3A_137 = arith.addf %add3A_121, %mul3A_136 : vector<16xf32>
        %mul3A_138 = arith.mulf %gather3A_130, %gather3A_135 : vector<16xf32>
        %add3A_139 = arith.addf %add3A_123, %mul3A_138 : vector<16xf32>
        scf.yield %add3A_137, %add3A_139 : vector<16xf32>, vector<16xf32>
      }
      %scan3A_59 = arith.constant 128 : i32
      %mul3A_60 = arith.constant 16 : i32
      %mul3A_61 = arith.muli %scan3A_48, %mul3A_60 : i32
      %add3A_62 = arith.constant 0 : i32
      %add3A_63 = arith.addi %add3A_62, %mul3A_61 : i32
      %add3A_64 = vector.broadcast %add3A_63 : i32 to vector<16xi32>
      %add3A_65 = arith.addi %add3A_64, %iota3A : vector<16xi32>
      %mul3A_66 = arith.constant 2 : i32
      %mul3A_67 = vector.broadcast %mul3A_66 : i32 to vector<16xi32>
      %mul3A_68 = arith.muli %mul3A_67, %add3A_65 : vector<16xi32>
      tpu.vector_store_idx %arg9[%mul3A_68], %scan3A_58#0 : memref<1280xf32, #tpu.memory_space<vmem>>[vector<16xi32>], vector<16xf32>,
      %mul3A_69 = arith.constant 2 : i32
      %mul3A_70 = vector.broadcast %mul3A_69 : i32 to vector<16xi32>
      %mul3A_71 = arith.muli %mul3A_70, %add3A_65 : vector<16xi32>
      %add3A_72 = arith.constant 1 : i32
      %add3A_73 = vector.broadcast %add3A_72 : i32 to vector<16xi32>
      %add3A_74 = arith.addi %mul3A_71, %add3A_73 : vector<16xi32>
      tpu.vector_store_idx %arg9[%add3A_74], %scan3A_58#1 : memref<1280xf32, #tpu.memory_space<vmem>>[vector<16xi32>], vector<16xf32>,
    }
    %scan3A_12 = arith.constant 20 : i32
    %add3A_13 = arith.constant 320 : i32
    %add3A_14 = arith.addi %min3A_3, %add3A_13 : i32
    "tpu.region"() ({
      %run_scoped3A = tpu.sem_alloc : memref<!tpu.dma_semaphore, #tpu.memory_space<semaphore_mem>>
      %dma_start3A = arith.constant 0 : i32
      %dma_start3A_48 = tpu.memref_slice %arg2[%add3A_14, %dma_start3A] : memref<10000x128xf32, #tpu.memory_space<hbm>> -> memref<320x128xf32, #tpu.memory_space<hbm>>
      %dma_start3A_49 = arith.constant 0 : i32
      %dma_start3A_50 = tpu.memref_slice %arg2[%add3A_14, %dma_start3A_49] : memref<10000x128xf32, #tpu.memory_space<hbm>> -> memref<320x128xf32, #tpu.memory_space<hbm>>
      tpu.enqueue_dma source(%dma_start3A_50 : memref<320x128xf32, #tpu.memory_space<hbm>>) target(%arg7 : memref<320x128xf32, #tpu.memory_space<vmem>>) target_semaphore(%run_scoped3A : memref<!tpu.dma_semaphore, #tpu.memory_space<semaphore_mem>>)
      %dma_wait3A = arith.constant 0 : i32
      %dma_wait3A_51 = tpu.memref_slice %arg2[%add3A_14, %dma_wait3A] : memref<10000x128xf32, #tpu.memory_space<hbm>> -> memref<320x128xf32, #tpu.memory_space<hbm>>
      %dma_wait3A_52 = arith.constant 0 : i32
      %dma_wait3A_53 = tpu.memref_slice %arg2[%add3A_14, %dma_wait3A_52] : memref<10000x128xf32, #tpu.memory_space<hbm>> -> memref<320x128xf32, #tpu.memory_space<hbm>>
      tpu.wait_dma2 semaphore(%run_scoped3A : memref<!tpu.dma_semaphore, #tpu.memory_space<semaphore_mem>>) src(%dma_wait3A_53 : memref<320x128xf32, #tpu.memory_space<hbm>>) dst(%arg7 : memref<320x128xf32, #tpu.memory_space<vmem>>)
      tpu.yield
    }) : () -> ()
    %scan3A_15 = arith.constant 0 : i32
    %scan3A_16 = arith.constant 0 : i32
    %scan3A_17 = arith.constant 20 : i32
    %scan3A_18 = arith.addi %scan3A_16, %scan3A_17 : i32
    %scan3A_19 = arith.constant 1 : i32
    scf.for %scan3A_48 = %scan3A_16 to %scan3A_18 step %scan3A_19  : i32 {
      %mul3A_49 = arith.constant 16 : i32
      %mul3A_50 = arith.muli %scan3A_48, %mul3A_49 : i32
      %add3A_51 = vector.broadcast %mul3A_50 : i32 to vector<16xi32>
      %add3A_52 = arith.addi %add3A_51, %iota3A : vector<16xi32>
      %broadcast_in_dim3A = arith.constant 0.000000e+00 : f32
      %broadcast_in_dim3A_53 = vector.broadcast %broadcast_in_dim3A : f32 to vector<16xf32>
      %scan3A_54 = arith.constant 0 : i32
      %scan3A_55 = arith.constant 128 : i32
      %scan3A_56 = arith.addi %scan3A_54, %scan3A_55 : i32
      %scan3A_57 = arith.constant 4 : i32
      %scan3A_58:2 = scf.for %scan3A_75 = %scan3A_54 to %scan3A_56 step %scan3A_57 iter_args(%scan3A_76 = %broadcast_in_dim3A_53, %scan3A_77 = %broadcast_in_dim3A_53) -> (vector<16xf32>, vector<16xf32>)  : i32 {
        %broadcast_in_dim3A_78 = arith.constant 0 : i32
        %broadcast_in_dim3A_79 = vector.broadcast %broadcast_in_dim3A_78 : i32 to vector<16xi32>
        %add3A_80 = vector.broadcast %scan3A_75 : i32 to vector<16xi32>
        %add3A_81 = arith.addi %broadcast_in_dim3A_79, %add3A_80 : vector<16xi32>
        %gather3A_82 = tpu.vector_load_idx %arg7[%add3A_52, %add3A_81] : memref<320x128xf32, #tpu.memory_space<vmem>>[vector<16xi32>, vector<16xi32>], vector<16xf32>,
        %gather3A_83 = tpu.vector_load_idx %arg8[%add3A_81] : memref<256xf32, #tpu.memory_space<vmem>>[vector<16xi32>], vector<16xf32>,
        %add3A_84 = arith.constant 128 : i32
        %add3A_85 = vector.broadcast %add3A_84 : i32 to vector<16xi32>
        %add3A_86 = arith.addi %add3A_81, %add3A_85 : vector<16xi32>
        %gather3A_87 = tpu.vector_load_idx %arg8[%add3A_86] : memref<256xf32, #tpu.memory_space<vmem>>[vector<16xi32>], vector<16xf32>,
        %mul3A_88 = arith.mulf %gather3A_82, %gather3A_83 : vector<16xf32>
        %add3A_89 = arith.addf %scan3A_76, %mul3A_88 : vector<16xf32>
        %mul3A_90 = arith.mulf %gather3A_82, %gather3A_87 : vector<16xf32>
        %add3A_91 = arith.addf %scan3A_77, %mul3A_90 : vector<16xf32>
        %scan3A_92 = arith.constant 1 : i32
        %scan3A_93 = arith.addi %scan3A_75, %scan3A_92 : i32
        %broadcast_in_dim3A_94 = arith.constant 0 : i32
        %broadcast_in_dim3A_95 = vector.broadcast %broadcast_in_dim3A_94 : i32 to vector<16xi32>
        %add3A_96 = vector.broadcast %scan3A_93 : i32 to vector<16xi32>
        %add3A_97 = arith.addi %broadcast_in_dim3A_95, %add3A_96 : vector<16xi32>
        %gather3A_98 = tpu.vector_load_idx %arg7[%add3A_52, %add3A_97] : memref<320x128xf32, #tpu.memory_space<vmem>>[vector<16xi32>, vector<16xi32>], vector<16xf32>,
        %gather3A_99 = tpu.vector_load_idx %arg8[%add3A_97] : memref<256xf32, #tpu.memory_space<vmem>>[vector<16xi32>], vector<16xf32>,
        %add3A_100 = arith.constant 128 : i32
        %add3A_101 = vector.broadcast %add3A_100 : i32 to vector<16xi32>
        %add3A_102 = arith.addi %add3A_97, %add3A_101 : vector<16xi32>
        %gather3A_103 = tpu.vector_load_idx %arg8[%add3A_102] : memref<256xf32, #tpu.memory_space<vmem>>[vector<16xi32>], vector<16xf32>,
        %mul3A_104 = arith.mulf %gather3A_98, %gather3A_99 : vector<16xf32>
        %add3A_105 = arith.addf %add3A_89, %mul3A_104 : vector<16xf32>
        %mul3A_106 = arith.mulf %gather3A_98, %gather3A_103 : vector<16xf32>
        %add3A_107 = arith.addf %add3A_91, %mul3A_106 : vector<16xf32>
        %scan3A_108 = arith.constant 2 : i32
        %scan3A_109 = arith.addi %scan3A_75, %scan3A_108 : i32
        %broadcast_in_dim3A_110 = arith.constant 0 : i32
        %broadcast_in_dim3A_111 = vector.broadcast %broadcast_in_dim3A_110 : i32 to vector<16xi32>
        %add3A_112 = vector.broadcast %scan3A_109 : i32 to vector<16xi32>
        %add3A_113 = arith.addi %broadcast_in_dim3A_111, %add3A_112 : vector<16xi32>
        %gather3A_114 = tpu.vector_load_idx %arg7[%add3A_52, %add3A_113] : memref<320x128xf32, #tpu.memory_space<vmem>>[vector<16xi32>, vector<16xi32>], vector<16xf32>,
        %gather3A_115 = tpu.vector_load_idx %arg8[%add3A_113] : memref<256xf32, #tpu.memory_space<vmem>>[vector<16xi32>], vector<16xf32>,
        %add3A_116 = arith.constant 128 : i32
        %add3A_117 = vector.broadcast %add3A_116 : i32 to vector<16xi32>
        %add3A_118 = arith.addi %add3A_113, %add3A_117 : vector<16xi32>
        %gather3A_119 = tpu.vector_load_idx %arg8[%add3A_118] : memref<256xf32, #tpu.memory_space<vmem>>[vector<16xi32>], vector<16xf32>,
        %mul3A_120 = arith.mulf %gather3A_114, %gather3A_115 : vector<16xf32>
        %add3A_121 = arith.addf %add3A_105, %mul3A_120 : vector<16xf32>
        %mul3A_122 = arith.mulf %gather3A_114, %gather3A_119 : vector<16xf32>
        %add3A_123 = arith.addf %add3A_107, %mul3A_122 : vector<16xf32>
        %scan3A_124 = arith.constant 3 : i32
        %scan3A_125 = arith.addi %scan3A_75, %scan3A_124 : i32
        %broadcast_in_dim3A_126 = arith.constant 0 : i32
        %broadcast_in_dim3A_127 = vector.broadcast %broadcast_in_dim3A_126 : i32 to vector<16xi32>
        %add3A_128 = vector.broadcast %scan3A_125 : i32 to vector<16xi32>
        %add3A_129 = arith.addi %broadcast_in_dim3A_127, %add3A_128 : vector<16xi32>
        %gather3A_130 = tpu.vector_load_idx %arg7[%add3A_52, %add3A_129] : memref<320x128xf32, #tpu.memory_space<vmem>>[vector<16xi32>, vector<16xi32>], vector<16xf32>,
        %gather3A_131 = tpu.vector_load_idx %arg8[%add3A_129] : memref<256xf32, #tpu.memory_space<vmem>>[vector<16xi32>], vector<16xf32>,
        %add3A_132 = arith.constant 128 : i32
        %add3A_133 = vector.broadcast %add3A_132 : i32 to vector<16xi32>
        %add3A_134 = arith.addi %add3A_129, %add3A_133 : vector<16xi32>
        %gather3A_135 = tpu.vector_load_idx %arg8[%add3A_134] : memref<256xf32, #tpu.memory_space<vmem>>[vector<16xi32>], vector<16xf32>,
        %mul3A_136 = arith.mulf %gather3A_130, %gather3A_131 : vector<16xf32>
        %add3A_137 = arith.addf %add3A_121, %mul3A_136 : vector<16xf32>
        %mul3A_138 = arith.mulf %gather3A_130, %gather3A_135 : vector<16xf32>
        %add3A_139 = arith.addf %add3A_123, %mul3A_138 : vector<16xf32>
        scf.yield %add3A_137, %add3A_139 : vector<16xf32>, vector<16xf32>
      }
      %scan3A_59 = arith.constant 128 : i32
      %mul3A_60 = arith.constant 16 : i32
      %mul3A_61 = arith.muli %scan3A_48, %mul3A_60 : i32
      %add3A_62 = arith.constant 320 : i32
      %add3A_63 = arith.addi %add3A_62, %mul3A_61 : i32
      %add3A_64 = vector.broadcast %add3A_63 : i32 to vector<16xi32>
      %add3A_65 = arith.addi %add3A_64, %iota3A : vector<16xi32>
      %mul3A_66 = arith.constant 2 : i32
      %mul3A_67 = vector.broadcast %mul3A_66 : i32 to vector<16xi32>
      %mul3A_68 = arith.muli %mul3A_67, %add3A_65 : vector<16xi32>
      tpu.vector_store_idx %arg9[%mul3A_68], %scan3A_58#0 : memref<1280xf32, #tpu.memory_space<vmem>>[vector<16xi32>], vector<16xf32>,
      %mul3A_69 = arith.constant 2 : i32
      %mul3A_70 = vector.broadcast %mul3A_69 : i32 to vector<16xi32>
      %mul3A_71 = arith.muli %mul3A_70, %add3A_65 : vector<16xi32>
      %add3A_72 = arith.constant 1 : i32
      %add3A_73 = vector.broadcast %add3A_72 : i32 to vector<16xi32>
      %add3A_74 = arith.addi %mul3A_71, %add3A_73 : vector<16xi32>
      tpu.vector_store_idx %arg9[%add3A_74], %scan3A_58#1 : memref<1280xf32, #tpu.memory_space<vmem>>[vector<16xi32>], vector<16xf32>,
    }
    %scan3A_20 = arith.constant 20 : i32
    %mul3A_21 = arith.constant 2 : i32
    %mul3A_22 = arith.muli %mul3A_21, %min3A_3 : i32
    "tpu.region"() ({
      %run_scoped3A = tpu.sem_alloc : memref<!tpu.dma_semaphore, #tpu.memory_space<semaphore_mem>>
      %dma_start3A = tpu.memref_slice %arg14[%mul3A_22] : memref<20000xf32, #tpu.memory_space<vmem_shared>> -> memref<1280xf32, #tpu.memory_space<vmem_shared>>
      %dma_start3A_48 = tpu.memref_slice %arg14[%mul3A_22] : memref<20000xf32, #tpu.memory_space<vmem_shared>> -> memref<1280xf32, #tpu.memory_space<vmem_shared>>
      tpu.enqueue_dma source(%arg9 : memref<1280xf32, #tpu.memory_space<vmem>>) target(%dma_start3A_48 : memref<1280xf32, #tpu.memory_space<vmem_shared>>) target_semaphore(%run_scoped3A : memref<!tpu.dma_semaphore, #tpu.memory_space<semaphore_mem>>)
      %dma_wait3A = tpu.memref_slice %arg14[%mul3A_22] : memref<20000xf32, #tpu.memory_space<vmem_shared>> -> memref<1280xf32, #tpu.memory_space<vmem_shared>>
      %dma_wait3A_49 = tpu.memref_slice %arg14[%mul3A_22] : memref<20000xf32, #tpu.memory_space<vmem_shared>> -> memref<1280xf32, #tpu.memory_space<vmem_shared>>
      tpu.wait_dma2 semaphore(%run_scoped3A : memref<!tpu.dma_semaphore, #tpu.memory_space<semaphore_mem>>) src(%arg9 : memref<1280xf32, #tpu.memory_space<vmem>>) dst(%dma_wait3A_49 : memref<1280xf32, #tpu.memory_space<vmem_shared>>)
      tpu.yield
    }) : () -> ()
    %barrier3A = arith.constant 0 : index
    tpu.barrier barrier_id(%barrier3A)
    "tpu.region"() ({
      %run_scoped3A = tpu.sem_alloc : memref<!tpu.dma_semaphore, #tpu.memory_space<semaphore_mem>>
      tpu.enqueue_dma source(%arg14 : memref<20000xf32, #tpu.memory_space<vmem_shared>>) target(%arg10 : memref<20000xf32, #tpu.memory_space<vmem>>) target_semaphore(%run_scoped3A : memref<!tpu.dma_semaphore, #tpu.memory_space<semaphore_mem>>)
      tpu.wait_dma2 semaphore(%run_scoped3A : memref<!tpu.dma_semaphore, #tpu.memory_space<semaphore_mem>>) src(%arg14 : memref<20000xf32, #tpu.memory_space<vmem_shared>>) dst(%arg10 : memref<20000xf32, #tpu.memory_space<vmem>>)
      tpu.yield
    }) : () -> ()
    %scan3A_23 = arith.constant 0 : i32
    %scan3A_24 = arith.constant 0 : i32
    %scan3A_25 = arith.constant 624 : i32
    %scan3A_26 = arith.addi %scan3A_24, %scan3A_25 : i32
    %scan3A_27 = arith.constant 4 : i32
    scf.for %scan3A_48 = %scan3A_24 to %scan3A_26 step %scan3A_27  : i32 {
      %mul3A_49 = arith.constant 16 : i32
      %mul3A_50 = arith.muli %scan3A_48, %mul3A_49 : i32
      %get3A_51 = arith.index_cast %mul3A_50 : i32 to index
      %get3A_52 = tpu.vector_load %arg11[%get3A_51] {strides = array<i32>} : memref<10000xi32, #tpu.memory_space<vmem>>, vector<16xi32>,
      %get3A_53 = arith.index_cast %mul3A_50 : i32 to index
      %get3A_54 = tpu.vector_load %arg12[%get3A_53] {strides = array<i32>} : memref<10000xi32, #tpu.memory_space<vmem>>, vector<16xi32>,
      %mul3A_55 = arith.constant 2 : i32
      %mul3A_56 = vector.broadcast %mul3A_55 : i32 to vector<16xi32>
      %mul3A_57 = arith.muli %get3A_52, %mul3A_56 : vector<16xi32>
      %gather3A_58 = tpu.vector_load_idx %arg10[%mul3A_57] : memref<20000xf32, #tpu.memory_space<vmem>>[vector<16xi32>], vector<16xf32>,
      %mul3A_59 = arith.constant 2 : i32
      %mul3A_60 = vector.broadcast %mul3A_59 : i32 to vector<16xi32>
      %mul3A_61 = arith.muli %get3A_54, %mul3A_60 : vector<16xi32>
      %add3A_62 = arith.constant 1 : i32
      %add3A_63 = vector.broadcast %add3A_62 : i32 to vector<16xi32>
      %add3A_64 = arith.addi %mul3A_61, %add3A_63 : vector<16xi32>
      %gather3A_65 = tpu.vector_load_idx %arg10[%add3A_64] : memref<20000xf32, #tpu.memory_space<vmem>>[vector<16xi32>], vector<16xf32>,
      %add3A_66 = arith.addf %gather3A_58, %gather3A_65 : vector<16xf32>
      %swap3A_67 = arith.index_cast %mul3A_50 : i32 to index
      %swap3A_68 = tpu.vector_load %arg13[%swap3A_67] {strides = array<i32>} : memref<10000xf32, #tpu.memory_space<vmem>>, vector<16xf32>,
      tpu.vector_store %arg13[%swap3A_67], %add3A_66 {strides = array<i32>} : memref<10000xf32, #tpu.memory_space<vmem>>, vector<16xf32>,
      %scan3A_69 = arith.constant 1 : i32
      %scan3A_70 = arith.addi %scan3A_48, %scan3A_69 : i32
      %mul3A_71 = arith.constant 16 : i32
      %mul3A_72 = arith.muli %scan3A_70, %mul3A_71 : i32
      %get3A_73 = arith.index_cast %mul3A_72 : i32 to index
      %get3A_74 = tpu.vector_load %arg11[%get3A_73] {strides = array<i32>} : memref<10000xi32, #tpu.memory_space<vmem>>, vector<16xi32>,
      %get3A_75 = arith.index_cast %mul3A_72 : i32 to index
      %get3A_76 = tpu.vector_load %arg12[%get3A_75] {strides = array<i32>} : memref<10000xi32, #tpu.memory_space<vmem>>, vector<16xi32>,
      %mul3A_77 = arith.constant 2 : i32
      %mul3A_78 = vector.broadcast %mul3A_77 : i32 to vector<16xi32>
      %mul3A_79 = arith.muli %get3A_74, %mul3A_78 : vector<16xi32>
      %gather3A_80 = tpu.vector_load_idx %arg10[%mul3A_79] : memref<20000xf32, #tpu.memory_space<vmem>>[vector<16xi32>], vector<16xf32>,
      %mul3A_81 = arith.constant 2 : i32
      %mul3A_82 = vector.broadcast %mul3A_81 : i32 to vector<16xi32>
      %mul3A_83 = arith.muli %get3A_76, %mul3A_82 : vector<16xi32>
      %add3A_84 = arith.constant 1 : i32
      %add3A_85 = vector.broadcast %add3A_84 : i32 to vector<16xi32>
      %add3A_86 = arith.addi %mul3A_83, %add3A_85 : vector<16xi32>
      %gather3A_87 = tpu.vector_load_idx %arg10[%add3A_86] : memref<20000xf32, #tpu.memory_space<vmem>>[vector<16xi32>], vector<16xf32>,
      %add3A_88 = arith.addf %gather3A_80, %gather3A_87 : vector<16xf32>
      %swap3A_89 = arith.index_cast %mul3A_72 : i32 to index
      %swap3A_90 = tpu.vector_load %arg13[%swap3A_89] {strides = array<i32>} : memref<10000xf32, #tpu.memory_space<vmem>>, vector<16xf32>,
      tpu.vector_store %arg13[%swap3A_89], %add3A_88 {strides = array<i32>} : memref<10000xf32, #tpu.memory_space<vmem>>, vector<16xf32>,
      %scan3A_91 = arith.constant 2 : i32
      %scan3A_92 = arith.addi %scan3A_48, %scan3A_91 : i32
      %mul3A_93 = arith.constant 16 : i32
      %mul3A_94 = arith.muli %scan3A_92, %mul3A_93 : i32
      %get3A_95 = arith.index_cast %mul3A_94 : i32 to index
      %get3A_96 = tpu.vector_load %arg11[%get3A_95] {strides = array<i32>} : memref<10000xi32, #tpu.memory_space<vmem>>, vector<16xi32>,
      %get3A_97 = arith.index_cast %mul3A_94 : i32 to index
      %get3A_98 = tpu.vector_load %arg12[%get3A_97] {strides = array<i32>} : memref<10000xi32, #tpu.memory_space<vmem>>, vector<16xi32>,
      %mul3A_99 = arith.constant 2 : i32
      %mul3A_100 = vector.broadcast %mul3A_99 : i32 to vector<16xi32>
      %mul3A_101 = arith.muli %get3A_96, %mul3A_100 : vector<16xi32>
      %gather3A_102 = tpu.vector_load_idx %arg10[%mul3A_101] : memref<20000xf32, #tpu.memory_space<vmem>>[vector<16xi32>], vector<16xf32>,
      %mul3A_103 = arith.constant 2 : i32
      %mul3A_104 = vector.broadcast %mul3A_103 : i32 to vector<16xi32>
      %mul3A_105 = arith.muli %get3A_98, %mul3A_104 : vector<16xi32>
      %add3A_106 = arith.constant 1 : i32
      %add3A_107 = vector.broadcast %add3A_106 : i32 to vector<16xi32>
      %add3A_108 = arith.addi %mul3A_105, %add3A_107 : vector<16xi32>
      %gather3A_109 = tpu.vector_load_idx %arg10[%add3A_108] : memref<20000xf32, #tpu.memory_space<vmem>>[vector<16xi32>], vector<16xf32>,
      %add3A_110 = arith.addf %gather3A_102, %gather3A_109 : vector<16xf32>
      %swap3A_111 = arith.index_cast %mul3A_94 : i32 to index
      %swap3A_112 = tpu.vector_load %arg13[%swap3A_111] {strides = array<i32>} : memref<10000xf32, #tpu.memory_space<vmem>>, vector<16xf32>,
      tpu.vector_store %arg13[%swap3A_111], %add3A_110 {strides = array<i32>} : memref<10000xf32, #tpu.memory_space<vmem>>, vector<16xf32>,
      %scan3A_113 = arith.constant 3 : i32
      %scan3A_114 = arith.addi %scan3A_48, %scan3A_113 : i32
      %mul3A_115 = arith.constant 16 : i32
      %mul3A_116 = arith.muli %scan3A_114, %mul3A_115 : i32
      %get3A_117 = arith.index_cast %mul3A_116 : i32 to index
      %get3A_118 = tpu.vector_load %arg11[%get3A_117] {strides = array<i32>} : memref<10000xi32, #tpu.memory_space<vmem>>, vector<16xi32>,
      %get3A_119 = arith.index_cast %mul3A_116 : i32 to index
      %get3A_120 = tpu.vector_load %arg12[%get3A_119] {strides = array<i32>} : memref<10000xi32, #tpu.memory_space<vmem>>, vector<16xi32>,
      %mul3A_121 = arith.constant 2 : i32
      %mul3A_122 = vector.broadcast %mul3A_121 : i32 to vector<16xi32>
      %mul3A_123 = arith.muli %get3A_118, %mul3A_122 : vector<16xi32>
      %gather3A_124 = tpu.vector_load_idx %arg10[%mul3A_123] : memref<20000xf32, #tpu.memory_space<vmem>>[vector<16xi32>], vector<16xf32>,
      %mul3A_125 = arith.constant 2 : i32
      %mul3A_126 = vector.broadcast %mul3A_125 : i32 to vector<16xi32>
      %mul3A_127 = arith.muli %get3A_120, %mul3A_126 : vector<16xi32>
      %add3A_128 = arith.constant 1 : i32
      %add3A_129 = vector.broadcast %add3A_128 : i32 to vector<16xi32>
      %add3A_130 = arith.addi %mul3A_127, %add3A_129 : vector<16xi32>
      %gather3A_131 = tpu.vector_load_idx %arg10[%add3A_130] : memref<20000xf32, #tpu.memory_space<vmem>>[vector<16xi32>], vector<16xf32>,
      %add3A_132 = arith.addf %gather3A_124, %gather3A_131 : vector<16xf32>
      %swap3A_133 = arith.index_cast %mul3A_116 : i32 to index
      %swap3A_134 = tpu.vector_load %arg13[%swap3A_133] {strides = array<i32>} : memref<10000xf32, #tpu.memory_space<vmem>>, vector<16xf32>,
      tpu.vector_store %arg13[%swap3A_133], %add3A_132 {strides = array<i32>} : memref<10000xf32, #tpu.memory_space<vmem>>, vector<16xf32>,
    }
    %scan3A_28 = arith.constant 624 : i32
    %scan3A_29 = arith.addi %scan3A_24, %scan3A_28 : i32
    %mul3A_30 = arith.constant 16 : i32
    %mul3A_31 = arith.muli %scan3A_29, %mul3A_30 : i32
    %get3A = arith.index_cast %mul3A_31 : i32 to index
    %get3A_32 = tpu.vector_load %arg11[%get3A] {strides = array<i32>} : memref<10000xi32, #tpu.memory_space<vmem>>, vector<16xi32>,
    %get3A_33 = arith.index_cast %mul3A_31 : i32 to index
    %get3A_34 = tpu.vector_load %arg12[%get3A_33] {strides = array<i32>} : memref<10000xi32, #tpu.memory_space<vmem>>, vector<16xi32>,
    %mul3A_35 = arith.constant 2 : i32
    %mul3A_36 = vector.broadcast %mul3A_35 : i32 to vector<16xi32>
    %mul3A_37 = arith.muli %get3A_32, %mul3A_36 : vector<16xi32>
    %gather3A = tpu.vector_load_idx %arg10[%mul3A_37] : memref<20000xf32, #tpu.memory_space<vmem>>[vector<16xi32>], vector<16xf32>,
    %mul3A_38 = arith.constant 2 : i32
    %mul3A_39 = vector.broadcast %mul3A_38 : i32 to vector<16xi32>
    %mul3A_40 = arith.muli %get3A_34, %mul3A_39 : vector<16xi32>
    %add3A_41 = arith.constant 1 : i32
    %add3A_42 = vector.broadcast %add3A_41 : i32 to vector<16xi32>
    %add3A_43 = arith.addi %mul3A_40, %add3A_42 : vector<16xi32>
    %gather3A_44 = tpu.vector_load_idx %arg10[%add3A_43] : memref<20000xf32, #tpu.memory_space<vmem>>[vector<16xi32>], vector<16xf32>,
    %add3A_45 = arith.addf %gather3A, %gather3A_44 : vector<16xf32>
    %swap3A = arith.index_cast %mul3A_31 : i32 to index
    %swap3A_46 = tpu.vector_load %arg13[%swap3A] {strides = array<i32>} : memref<10000xf32, #tpu.memory_space<vmem>>, vector<16xf32>,
    tpu.vector_store %arg13[%swap3A], %add3A_45 {strides = array<i32>} : memref<10000xf32, #tpu.memory_space<vmem>>, vector<16xf32>,
    %scan3A_47 = arith.constant 625 : i32
    "tpu.region"() ({
      %run_scoped3A = tpu.sem_alloc : memref<!tpu.dma_semaphore, #tpu.memory_space<semaphore_mem>>
      %dma_start3A = tpu.memref_slice %arg6[%mul3A_5] : memref<320000xf32, #tpu.memory_space<hbm>> -> memref<10000xf32, #tpu.memory_space<hbm>>
      %dma_start3A_48 = tpu.memref_slice %arg6[%mul3A_5] : memref<320000xf32, #tpu.memory_space<hbm>> -> memref<10000xf32, #tpu.memory_space<hbm>>
      tpu.enqueue_dma source(%arg13 : memref<10000xf32, #tpu.memory_space<vmem>>) target(%dma_start3A_48 : memref<10000xf32, #tpu.memory_space<hbm>>) target_semaphore(%run_scoped3A : memref<!tpu.dma_semaphore, #tpu.memory_space<semaphore_mem>>)
      %dma_wait3A = tpu.memref_slice %arg6[%mul3A_5] : memref<320000xf32, #tpu.memory_space<hbm>> -> memref<10000xf32, #tpu.memory_space<hbm>>
      %dma_wait3A_49 = tpu.memref_slice %arg6[%mul3A_5] : memref<320000xf32, #tpu.memory_space<hbm>> -> memref<10000xf32, #tpu.memory_space<hbm>>
      tpu.wait_dma2 semaphore(%run_scoped3A : memref<!tpu.dma_semaphore, #tpu.memory_space<semaphore_mem>>) src(%arg13 : memref<10000xf32, #tpu.memory_space<vmem>>) dst(%dma_wait3A_49 : memref<10000xf32, #tpu.memory_space<hbm>>)
      tpu.yield
    }) : () -> ()
    return
  }
}

module attributes {stable_mosaic.version = 14 : i64} {
  func.func @_combine_body(%arg0: memref<5x64000xf32, #tpu.memory_space<vmem>>, %arg1: memref<5x64000xf32, #tpu.memory_space<vmem>>, %arg2: memref<5x64000xf32, #tpu.memory_space<vmem>>) attributes {dimension_semantics = [], scalar_prefetch = 0 : i64, scratch_operands = 0 : i64, tpu.core_type = #tpu.core_type<tc>} {
    %get3A = arith.constant 0 : index
    %get3A_0 = arith.constant 0 : index
    %get3A_1 = vector.load %arg0[%get3A, %get3A_0] : memref<5x64000xf32, #tpu.memory_space<vmem>>, vector<5x64000xf32>
    %get3A_2 = arith.constant 0 : index
    %get3A_3 = arith.constant 0 : index
    %get3A_4 = vector.load %arg1[%get3A_2, %get3A_3] : memref<5x64000xf32, #tpu.memory_space<vmem>>, vector<5x64000xf32>
    %add3A = arith.addf %get3A_1, %get3A_4 : vector<5x64000xf32>
    %swap3A = arith.constant 0 : index
    %swap3A_5 = arith.constant 0 : index
    %swap3A_6 = vector.load %arg2[%swap3A, %swap3A_5] : memref<5x64000xf32, #tpu.memory_space<vmem>>, vector<5x64000xf32>
    tpu.vector_store %arg2[%swap3A, %swap3A_5], %add3A {strides = array<i32>} : memref<5x64000xf32, #tpu.memory_space<vmem>>, vector<5x64000xf32>,
    return
  }
}

module attributes {stable_mosaic.version = 14 : i64} {
  func.func @_decode_body(%arg0: i32, %arg1: memref<5x12800x128xf32, #tpu.memory_space<vmem>>, %arg2: memref<1x1x128xf32, #tpu.memory_space<vmem>>, %arg3: memref<1x1xf32, #tpu.memory_space<smem>>, %arg4: memref<5x12800xf32, #tpu.memory_space<vmem>>) attributes {dimension_semantics = [#tpu.dimension_semantics<arbitrary>], iteration_bounds = array<i64: 5>, scalar_prefetch = 0 : i64, scratch_operands = 0 : i64, tpu.core_type = #tpu.core_type<tc>, window_params = [{transform_indices = @transform_0, window_bounds = array<i64: 5, 12800, 128>}, {pipeline_mode = #tpu.pipeline_mode<synchronous>, transform_indices = @transform_1, window_bounds = array<i64: 1, 1, 128>}, {transform_indices = @transform_2, window_bounds = array<i64: 1, 1>}, {transform_indices = @transform_3, window_bounds = array<i64: 5, 12800>}]} {
    %get3A = arith.constant 0 : index
    %get3A_0 = arith.constant 0 : index
    %get3A_1 = arith.constant 0 : index
    %get3A_2 = vector.load %arg1[%get3A, %get3A_0, %get3A_1] : memref<5x12800x128xf32, #tpu.memory_space<vmem>>, vector<5x12800x128xf32>
    %get3A_3 = arith.constant 0 : index
    %get3A_4 = arith.constant 0 : index
    %get3A_5 = arith.constant 0 : index
    %get3A_6 = vector.load %arg2[%get3A_3, %get3A_4, %get3A_5] : memref<1x1x128xf32, #tpu.memory_space<vmem>>, vector<1x1x128xf32>
    %mul3A = vector.broadcast %get3A_6 : vector<1x1x128xf32> to vector<5x12800x128xf32>
    %mul3A_7 = arith.mulf %get3A_2, %mul3A : vector<5x12800x128xf32>
    %reduce_sum3A = arith.constant dense<0.000000e+00> : vector<5x12800xf32>
    %reduce_sum3A_8 = vector.multi_reduction <add>, %mul3A_7, %reduce_sum3A [2] : vector<5x12800x128xf32> to vector<5x12800xf32>
    %get3A_9 = arith.constant 0 : index
    %get3A_10 = arith.constant 0 : index
    %get3A_11 = memref.load %arg3[%get3A_9, %get3A_10] : memref<1x1xf32, #tpu.memory_space<smem>>
    %add3A = vector.broadcast %get3A_11 : f32 to vector<5x12800xf32>
    %add3A_12 = arith.addf %reduce_sum3A_8, %add3A : vector<5x12800xf32>
    %swap3A = arith.constant 0 : index
    %swap3A_13 = arith.constant 0 : index
    %swap3A_14 = vector.load %arg4[%swap3A, %swap3A_13] : memref<5x12800xf32, #tpu.memory_space<vmem>>, vector<5x12800xf32>
    tpu.vector_store %arg4[%swap3A, %swap3A_13], %add3A_12 {strides = array<i32>} : memref<5x12800xf32, #tpu.memory_space<vmem>>, vector<5x12800xf32>,
    return
  }
  func.func @transform_0(%arg0: i32) -> (i32, i32, i32) {
    %c0_i32 = arith.constant 0 : i32
    %c0_i32_0 = arith.constant 0 : i32
    %c0_i32_1 = arith.constant 0 : i32
    return %c0_i32, %arg0, %c0_i32_0 : i32, i32, i32
  }
  func.func @transform_1(%arg0: i32) -> (i32, i32, i32) {
    %c0_i32 = arith.constant 0 : i32
    %c0_i32_0 = arith.constant 0 : i32
    %c0_i32_1 = arith.constant 0 : i32
    %c0_i32_2 = arith.constant 0 : i32
    return %c0_i32, %c0_i32_0, %c0_i32_1 : i32, i32, i32
  }
  func.func @transform_2(%arg0: i32) -> (i32, i32) {
    %c0_i32 = arith.constant 0 : i32
    %c0_i32_0 = arith.constant 0 : i32
    %c0_i32_1 = arith.constant 0 : i32
    return %c0_i32, %c0_i32_0 : i32, i32
  }
  func.func @transform_3(%arg0: i32) -> (i32, i32) {
    %c0_i32 = arith.constant 0 : i32
    %c0_i32_0 = arith.constant 0 : i32
    return %c0_i32, %arg0 : i32, i32
  }
}

</mosaic_0001>

<sc_bundles>
// kernel: kernel.5.cloned.1.call-start
scs
__scs_entry_jumppad:
0x0: {  	(pc) =	sbr.rel $0x88, $3  }
0x1: {  	(tag) =	ssettag $0x0;
	lr =	simm.s32 $0x1  }
0x2: {  	[smem:$0x3F9C] =	sst lr;
	_ =	strace $0xD0000000  }
0x3: {  	_ = 	snop  }
0x4: {  	_ = 	snop  }
0x5: {  	_ = 	snop  }
0x6: {  	_ = 	snop  }
0x7: {  	_ = 	snop  }
__scs_overlays_trampoline_lowered:
0x8: {  	[smem:$0x3FAB] =	sst s0  }
0x9: {  	[smem:$0x3FAC] =	sst s1  }
0xa: {  	[smem:$0x3FAD] =	sst s2  }
0xb: {  	[smem:$0x3FAE] =	sst s3  }
0xc: {  	[smem:$0x3FAF] =	sst s4  }
0xd: {  	[smem:$0x3FB0] =	sst s5  }
0xe: {  	[smem:$0x3FB1] =	sst s6  }
0xf: {  	[smem:$0x3FB2] =	sst s7  }
0x10: {  	[smem:$0x3FB3] =	sst s8  }
0x11: {  	[smem:$0x3FB4] =	sst s9;
	s0 =	simm.s32 @!p0 $0x0  }
0x12: {  	s1 =	sld [smem:$0x3F9A];
	s0 =	simm.s32 @p0 $0x1  }
0x13: {  	[smem:$0x3FB5] =	sst s0;
	s0 =	simm.s32 @!p1 $0x0  }
0x14: {  	s2 =	sld [smem:$0x3F99];
	s0 =	simm.s32 @p1 $0x1  }
0x15: {  	[smem:$0x3FB6] =	sst s0;
	s0 =	simm.s32 @!p2 $0x0  }
0x16: {  	s3 =	sld [smem:$0x3FDB];
	s0 =	simm.s32 @p2 $0x1  }
0x17: {  	s4 =	simm.s32 $0x1BF5;
	[smem:$0x3FB8] =	sst s0  }
0x18: {  	s0 =	sld [smem:$0x3F9B];
	_ =	swait.ge [sflag:s4], $0x0  }
0x19: {  	s7 =	sld [smem:$0x3F9C]  }
0x1a: {  	s8 =	sadd.s32 $0xFFFFE003, lr  }
0x1b: {  	s9 =	sadd.s32 $0xFFFFFEF7, lr;
	s5 =	simm.s32 $0xFFFFFFFF;
	p2 =	slt.u32 s8, $0xFFFFF086  }
0x1c: {  	p1 =	slt.u32 s9, $0xF7A;
	s5 =	simm.s32 @!p2 $0x0  }
0x1d: {  	s5 =	simm.s32 @p1 $0x1;
	p0 =	seq.s32 s7, s2  }
0x1e: {  	s7 =	smul.u32 @!p0 $0xF7A, s2;
	p2 =	seq.s32 @!p0 s5, $0x0  }
0x1f: {  	s9 =	smul.u32 $0xF7A, s1;
	s8 =	simm.s32 @!p0 $0x1BF5;
	p2 =	por !p2, p0  }
0x20: {  	[sflag:s8] =	ssyncset.s32 @!p0 $0xFFFFF086;
	s6 =	sadd.s32 @!p0 s3, s7;
	s7 =	simm.s32 @!p0 $0x108  }
0x21: {  	s3 =	sadd.s32 s3, s9;
	s6 =	sadd.s32 @!p0 $0x88, s6;
	s7 =	simm.s32 @p2 $0x1082  }
0x22: {  	[simem:s7], [sflag:s8] =	dma.local @!p0 [hbm:s6], $0xF7A  }
0x23: {  	s9 =	sor.u32 $0xD0000000, s2;
	s6 =	simm.s32 $0x108;
	_ =	swait.ge @!p0 [sflag:s8], $0x0  }
0x24: {  	s3 =	sadd.s32 $0x88, s3;
	s6 =	simm.s32 @!p1 $0x1082;
	[sflag:s4] =	ssyncset.s32 $0xFFFFF086  }
0x25: {  	[simem:s6], [sflag:s4] =	dma.local [hbm:s3], $0xF7A  }
0x26: {  	[smem:$0x3F9C] =	sst s1;
	(tag) =	ssettag s2;
	_ =	strace s9  }
0x27: {  	s1 =	sld [smem:$0x3FAC]  }
0x28: {  	s2 =	sld [smem:$0x3FAD]  }
0x29: {  	s4 =	sld [smem:$0x3FAF]  }
0x2a: {  	p0 =	seq.s32 s5, $0x0;
	s5 =	sld [smem:$0x3FB0]  }
0x2b: {  	s6 =	sld [smem:$0x3FB1]  }
0x2c: {  	s7 =	sld [smem:$0x3FB2]  }
0x2d: {  	s3 =	simm.s32 $0x108;
	s8 =	sld [smem:$0x3FB3]  }
0x2e: {  	s3 =	simm.s32 @!p0 $0x1082;
	s9 =	sld [smem:$0x3FB4]  }
0x2f: {  	lr =	sadd.s32 s0, s3;
	s0 =	sld [smem:$0x3FAB]  }
0x30: {  	s3 =	sld [smem:$0x3FAE]  }
0x31: {  	[smem:$0x3FB7] =	sst s10  }
0x32: {  	s10 =	sld [smem:$0x3FB5];
	_ =	sdelay $0x3  }
0x33: {  	p0 =	seq.s32 s10, $0x1;
	s10 =	sld [smem:$0x3FB7];
	_ =	sdelay $0x3  }
0x34: {  	[smem:$0x3FB7] =	sst s10  }
0x35: {  	s10 =	sld [smem:$0x3FB6];
	_ =	sdelay $0x3  }
0x36: {  	p1 =	seq.s32 s10, $0x1;
	s10 =	sld [smem:$0x3FB7];
	_ =	sdelay $0x3  }
0x37: {  	[smem:$0x3FB7] =	sst s10  }
0x38: {  	s10 =	sld [smem:$0x3FB8]  }
0x39: {  	_ = 	snop;
	(pc) =	sbr.ind lr, $3  }
0x3a: {  	_ = 	snop  }
0x3b: {  	_ = 	snop  }
0x3c: {  	p2 =	seq.s32 s10, $0x1;
	s10 =	sld [smem:$0x3FB7]  }
0x3d: {  	_ =	shalt  }
0x3e: {  	_ =	shalt  }
0x3f: {  	_ =	shalt  }
0x40: {  	_ =	shalt  }
0x41: {  	_ =	shalt  }
0x42: {  	_ =	shalt  }
0x43: {  	_ =	shalt  }
0x44: {  	_ =	shalt  }
0x45: {  	_ =	shalt  }
0x46: {  	_ =	shalt  }
0x47: {  	_ =	shalt  }
0x48: {  	_ =	shalt  }
0x49: {  	_ =	shalt  }
0x4a: {  	_ =	shalt  }
0x4b: {  	_ =	shalt  }
0x4c: {  	_ =	shalt  }
0x4d: {  	_ =	shalt  }
0x4e: {  	_ =	shalt  }
0x4f: {  	_ =	shalt  }
0x50: {  	_ =	shalt  }
0x51: {  	_ =	shalt  }
0x52: {  	_ =	shalt  }
0x53: {  	_ =	shalt  }
0x54: {  	_ =	shalt  }
0x55: {  	_ =	shalt  }
0x56: {  	_ =	shalt  }
0x57: {  	_ =	shalt  }
0x58: {  	_ =	shalt  }
0x59: {  	_ =	shalt  }
0x5a: {  	_ =	shalt  }
0x5b: {  	_ =	shalt  }
0x5c: {  	_ =	shalt  }
0x5d: {  	_ =	shalt  }
0x5e: {  	_ =	shalt  }
0x5f: {  	_ =	shalt  }
0x60: {  	_ =	shalt  }
0x61: {  	_ =	shalt  }
0x62: {  	_ =	shalt  }
0x63: {  	_ =	shalt  }
0x64: {  	_ =	shalt  }
0x65: {  	_ =	shalt  }
0x66: {  	_ =	shalt  }
0x67: {  	_ =	shalt  }
0x68: {  	_ =	shalt  }
0x69: {  	_ =	shalt  }
0x6a: {  	_ =	shalt  }
0x6b: {  	_ =	shalt  }
0x6c: {  	_ =	shalt  }
0x6d: {  	_ =	shalt  }
0x6e: {  	_ =	shalt  }
0x6f: {  	_ =	shalt  }
0x70: {  	_ =	shalt  }
0x71: {  	_ =	shalt  }
0x72: {  	_ =	shalt  }
0x73: {  	_ =	shalt  }
0x74: {  	_ =	shalt  }
0x75: {  	_ =	shalt  }
0x76: {  	_ =	shalt  }
0x77: {  	_ =	shalt  }
0x78: {  	_ =	shalt  }
0x79: {  	_ =	shalt  }
0x7a: {  	_ =	shalt  }
0x7b: {  	_ =	shalt  }
0x7c: {  	_ =	shalt  }
0x7d: {  	_ =	shalt  }
0x7e: {  	_ =	shalt  }
0x7f: {  	_ =	shalt  }
0x80: {  	_ =	shalt  }
0x81: {  	_ =	shalt  }
0x82: {  	_ =	shalt  }
0x83: {  	_ =	shalt  }
0x84: {  	_ =	shalt  }
0x85: {  	_ =	shalt  }
0x86: {  	_ =	shalt  }
0x87: {  	_ =	shalt  }
.Lfunc_end0:
.L_simem_size_0:
called_computation_lowered:
.L_overlay_start_0:
0x88: {  	s2 =	sld [smem:$0x3FD9]  }
0x89: {  	s3 =	sld [smem:$0x3FFE];
	_ =	sdelay $0x1  }
0x8a: {  	s1 =	srdreg.scid  }
0x8b: {  	s0 =	sand.u32 $0x1, s1  }
0x8c: {  	s17 =	sshll.u32 s0, $0xA;
	s2 =	sadd.s32 s3, s2  }
0x8d: {  	s2 =	sadd.s32 s2, s17  }
0x8e: {  	[smem:$0x3FC3] =	sst s2  }
0x8f: {  	_ = 	snop  }
0x90: {  	s2 =	sld [smem:$0x3FC9]  }
0x91: {  	s18 =	sld [smem:$0x3FD0];
	(tm) =	ssettm $0x1  }
0x92: {  	s4 =	sld [smem:$0x3FFB];
	_ =	sdelay $0x3  }
0x93: {  	_ =	strace s4  }
0x94: {  	s4 =	sld [smem:$0x3FFC];
	_ =	sdelay $0x3  }
0x95: {  	_ =	strace s4  }
0x96: {  	s4 =	sld [smem:$0x3FFD];
	_ =	sdelay $0x3  }
0x97: {  	_ =	strace s4  }
0x98: {  	_ =	strace $0x8FFFFFFF  }
0x99: {  	s19 =	sld [smem:$0x3FDB];
	_ =	sdelay $0x1  }
0x9a: {  	s5 =	simm.s32 $_scs_section_size  }
0x9b: {  	s6 =	simm.s32 $_size__tile_overlayer_lowered;
	s7 =	simm.s32 $_tile_overlayer_lowered  }
0x9c: {  	s22 =	simm.s32 $0x1BFF;
	s21 =	sshll.u32 s7, $0x1;
	s4 =	sadd.s32 s5, s19  }
0x9d: {  	s8 =	simm.s32 $0x0;
	s20 =	sshll.u32 s6, $0x1;
	s6 =	sadd.s32 s21, s4  }
0x9e: {  	[timem:s8], [sflag:s22] =	dma.local [hbm:s6], s20  }
0x9f: {  	_ =	swait.ge [sflag:s22], s20  }
0xa0: {  	s5 =	ssub.s32 $0x0, s20;
	[sflag:s22] =	ssyncset.done $0x0  }
0xa1: {  	[sflag:s22] =	ssyncadd.s32 s5;
	_ =	sdelay $0x1  }
0xa2: {  	s23 =	simm.s32 $0x1B8B  }
0xa3: {  	_ =	swait.ge [sflag:s23], $0x1  }
0xa4: {  	[sflag:s23] =	ssyncset.done $0x0  }
0xa5: {  	s25 =	simm.s32 $0x1B8E;
	s24 =	sld [smem:$0x3FFE];
	[sflag:s23] =	ssyncadd.s32 $0xFFFFFFFF  }
0xa6: {  	s26 =	simm.s32 $execute0_lowered;
	[smem:$0x3FD2] =	sst s25  }
0xa7: {  	s6 =	sshll.u32 s26, $0x1;
	_ =	strace $0x80000046;
	[dreg:$0x1] =	wrdreg $0xFFFFFFFF  }
0xa8: {  	s28 =	simm.s32 $_size_execute0_lowered;
	s4 =	sadd.s32 s4, s6;
	[dreg:$0x0] =	wrdreg $0x0  }
0xa9: {  	s6 =	sshll.u32 s28, $0x1;
	[dreg:$0x2] =	wrdreg s4  }
0xaa: {  	[dreg:$0x3] =	wrdreg s6  }
0xab: {  	[dreg:$0x4] =	wrdreg $0xC0  }
0xac: {  	_ =	task [dreg:s8], $0x5FFFF  }
0xad: {  	[dreg:$0x1] =	wrdreg $0xFFFFFFFF  }
0xae: {  	[dreg:$0x0] =	wrdreg $0x60  }
0xaf: {  	[dreg:$0x2] =	wrdreg s2  }
0xb0: {  	[dreg:$0x3] =	wrdreg s18  }
0xb1: {  	[dreg:$0x4] =	wrdreg s24  }
0xb2: {  	[dreg:$0x5] =	wrdreg $0x16B000  }
0xb3: {  	[dreg:$0x6] =	wrdreg $0x9  }
0xb4: {  	_ =	task.clear_ibuf [dreg:s8], $0x7FFFF;
	_ =	strace $0x90000046  }
0xb5: {  	s29 =	simm.s32 $0x9;
	_ =	strace $0x80000048  }
0xb6: {  	_ =	swait.ge [sflag:s29], $0x1  }
0xb7: {  	[sflag:s29] =	ssyncadd.s32 $0xFFFFFFFF  }
0xb8: {  	_ =	strace $0x90000048  }
0xb9: {  	_ =	sfence  }
0xba: {  	s30 =	sld [smem:$0x0];
	_ =	sdelay $0x2  }
0xbb: {  	s31 =	sshll.u32 s1, $0xD;
	s1 =	sshrl.u32 s1, $0x2  }
0xbc: {  	s3 =	sand.u32 $0x4000, s31;
	s1 =	sadd.s32 s1, s30  }
0xbd: {  	s0 =	sor.u32 s3, s0;
	s1 =	sshll.u32 s1, $0x11  }
0xbe: {  	s0 =	sor.u32 s1, s0  }
0xbf: {  	s0 =	sadd.s32 $0x8F2B, s0  }
0xc0: {  	[sflag:s0] =	ssyncadd.remote.s32 $0x1  }
0xc1: {  	_ =	sfence.sel $0xFFFF  }
0xc2: {  	[dreg:$0x0] =	wrdreg $0xFFFFFFFF;
	(pc) =	sbr.abs _section_cstart, $3  }
0xc3: {  	[dreg:$0x1] =	wrdreg $0xFFFFFFFF  }
0xc4: {  	_ =	task.clear_ibuf [dreg:s8], $0x2FFFF;
	_ =	strace $0x9FFFFFFF  }
0xc5: {  	(tm) =	ssettm $0x7FFFFFFF  }
tec
execute0_lowered:
.L_overlay_start_1:
0x0: {  	(tag) =	ssettag $0x1  }
0x1: {  	s7 =	rddreg [dreg:$0x0]  }
0x2: {  	s2 =	rddreg [dreg:$0x1]  }
0x3: {  	s5 =	rddreg [dreg:$0x2]  }
0x4: {  	s3 =	rddreg [dreg:$0x3]  }
0x5: {  	s4 =	srdreg.scid;
	s1 =	stileid.u32  }
0x6: {  	s0 =	rddreg [dreg:$0x4];
	s12 =	simm.s32 $0xA000;
	s13 =	simm.s32 $0x1  }
0x7: {  	s14 =	simm.s32 $0xF480;
	s15 =	simm.s32 $0x11C00;
	s16 =	simm.s32 $0xA100  }
0x8: {  	s17 =	simm.s32 $0xA600;
	s18 =	simm.s32 $0x14380;
	s19 =	simm.s32 $0x0  }
0x9: {  	s6 =	sand.u32 $0x1, s4;
	s8 =	sshll.u32 s1, $0x1;
	s4 =	simm.s32 $0x0  }
0xa: {  	s9 =	smul.u32 $0x280, s1;
	s8 =	sor.u32 s6, s8;
	s6 =	ssub.s32 $0x2, s6  }
0xb: {  	[smem:$0x7FF] =	sst s4;
	s8 =	smul.u32 $0x4E2, s8;
	s10 =	sshrl.u32 s6, $0x1  }
0xc: {  	_ =	strace $0x80000047;
	s9 =	smin.u32 s9, $0x2490;
	s11 =	ssub.s32 s6, s10  }
0xd: {  	s31 =	sshll.u32 s9, $0x4;
	s9 =	sshll.u32 s9, $0x1;
	s5 =	sadd.s32 s5, s8  }
0xe: {  	v0 =	vlaneseq.u32;
	s7 =	sadd.s32 s7, s31;
	s9 =	sadd.s32 s9, s3;
	s11 =	smax.u32 s11, $0x1  }
0xf: {  	v1 =	vmul.u32 $0x80, v0;
	v2 =	vmul.u32 $0x2, v0;
	s6 =	sadd.s32 $0x9E00, s5;
	s8 =	sadd.s32 $0x1400, s7;
	s10 =	sadd.s32 $0x13C00, s5  }
.LBB2_1:
0x10: {  	[tilespmem:s12], [sflag:$0x1] =	stream.linear.gather [hbm4b:s2+s4], $0x100, $0x38;
	[tilespmem:$0x16FE8] =	vst v63  }
0x11: {  	_ =	swait.ge [sflag:s13], $0x100  }
0x12: {  	[sflag:s13] =	ssyncset.done $0x0  }
0x13: {  	[sflag:s13] =	ssyncadd.s32 $0xFFFFFF00  }
0x14: {  	[tilespmem:s14], [sflag:$0x1] =	stream.linear.gather [hbm4b:s6+s4], $0x2710, $0x38;
	[tilespmem:$0x16FE8] =	vst v63  }
0x15: {  	_ =	swait.ge [sflag:s13], $0x2710  }
0x16: {  	[sflag:s13] =	ssyncset.done $0x0  }
0x17: {  	[sflag:s13] =	ssyncadd.s32 $0xFFFFD8F0  }
0x18: {  	[tilespmem:s15], [sflag:$0x1] =	stream.linear.gather [hbm4b:s5+s4], $0x2710, $0x38;
	[tilespmem:$0x16FE8] =	vst v63  }
0x19: {  	_ =	swait.ge [sflag:s13], $0x2710  }
0x1a: {  	[sflag:s13] =	ssyncset.done $0x0  }
0x1b: {  	[sflag:s13] =	ssyncadd.s32 $0xFFFFD8F0  }
0x1c: {  	[tilespmem:s4], [sflag:$0x1] =	stream.linear.gather [hbm4b:s7+s4], $0xA000, $0x38;
	[tilespmem:$0x16FE8] =	vst v63  }
0x1d: {  	_ =	swait.ge [sflag:s13], $0xA000  }
0x1e: {  	[sflag:s13] =	ssyncset.done $0x0  }
0x1f: {  	s20 =	simm.s32 $0x0;
	[sflag:s13] =	ssyncadd.s32 $0xFFFF6000  }
.LBB2_2:
0x20: {  	s29 =	simm.s32 $0x0  }
0x21: {  	s23 =	simm.s32 $0x1;
	v6 =	vmov s29  }
0x22: {  	s21 =	sshll.u32 s20, $0x4;
	s22 =	simm.s32 $0x2;
	v11 =	vmov s23  }
0x23: {  	v3 =	vor.u32 s21, v0;
	v15 =	vmov s22;
	v10 =	vor.u32 $0x80, v6  }
0x24: {  	v5 =	vshll.u32 v3, $0x7;
	v16 =	vor.u32 $0x80, v15  }
0x25: {  	s30 =	simm.s32 $0x3;
	v4 =	vor.u32 s29, v5  }
0x26: {  	v7 =	vor.u32 s30, v5;
	v19 =	vld.idx.msk [tilespmem:v6+s12+$0x0], $0xffff  }
0x27: {  	v8 =	vor.u32 s22, v5;
	v13 =	vld.idx.msk [tilespmem:v11+s12+$0x0], $0xffff  }
0x28: {  	v9 =	vor.u32 s23, v5;
	v23 =	vld.idx.msk [tilespmem:v10+s12+$0x0], $0xffff  }
0x29: {  	v14 =	vor.u32 $0x80, v11;
	v11 =	vld.idx.msk [tilespmem:v16+s12+$0x0], $0xffff  }
0x2a: {  	v12 =	vld.idx.msk [tilespmem:v4+s4+$0x0], $0xffff  }
0x2b: {  	v21 =	vmov s30;
	v6 =	vld.idx.msk [tilespmem:v7+s4+$0x0], $0xffff  }
0x2c: {  	s31 =	simm.s32 $0x4;
	v24 =	vor.u32 $0x80, v21;
	v4 =	vld.idx.msk [tilespmem:v8+s4+$0x0], $0xffff  }
0x2d: {  	v18 =	vor.u32 s31, v5;
	v7 =	vld.idx.msk [tilespmem:v9+s4+$0x0], $0xffff  }
0x2e: {  	s21 =	simm.s32 $0x7;
	v8 =	vld.idx.msk [tilespmem:v14+s12+$0x0], $0xffff  }
0x2f: {  	s24 =	simm.s32 $0x5;
	v17 =	vmov s31;
	s23 =	simm.s32 $0x6;
	v20 =	vor.u32 s21, v5;
	v9 =	vld.idx.msk [tilespmem:v15+s12+$0x0], $0xffff  }
0x30: {  	v10 =	vld.idx.msk [tilespmem:v21+s12+$0x0], $0xffff;
	v16 =	vor.u32 s24, v5;
	v14 =	vimm.f32 $0.0e+00;
	v15 =	vor.u32 s23, v5  }
0x31: {  	s22 =	simm.s32 $0x8;
	v22 =	vmul.f32 v19, v12;
	v21 =	vmul.f32 v23, v12;
	v12 =	vld.idx.msk [tilespmem:v24+s12+$0x0], $0xffff;
	v19 =	vimm.f32 $0.0e+00  }
.LBB2_3:
0x32: {  	p0 =	slt.u32 s22, $0x7C;
	v23 =	vld.idx.msk [tilespmem:v18+s4+$0x0], $0xffff;
	v18 =	vor.u32 $0x80, v17;
	v24 =	vmov s24;
	v13 =	vmul.f32 v13, v7  }
0x33: {  	v7 =	vmul.f32 v8, v7;
	v25 =	vld.idx.msk [tilespmem:v17+s12+$0x0], $0xffff;
	v14 =	vadd.f32 v22, v14;
	v17 =	vadd.f32 v21, v19  }
0x34: {  	v8 =	vor.u32 $0x80, v24;
	v21 =	vmov s23;
	v9 =	vmul.f32 v9, v4;
	v20 =	vld.idx.msk [tilespmem:v20+s4+$0x0], $0xffff  }
0x35: {  	v11 =	vmul.f32 v11, v4;
	v13 =	vadd.f32 v13, v14;
	v14 =	vadd.f32 v7, v17;
	v4 =	vld.idx.msk [tilespmem:v15+s4+$0x0], $0xffff  }
0x36: {  	v15 =	vor.u32 $0x80, v21;
	v10 =	vmul.f32 v10, v6;
	v7 =	vld.idx.msk [tilespmem:v16+s4+$0x0], $0xffff;
	v16 =	vmov s21  }
0x37: {  	v22 =	vmul.f32 v12, v6;
	v26 =	vld.idx.msk [tilespmem:v18+s12+$0x0], $0xffff;
	v9 =	vadd.f32 v9, v13;
	v11 =	vadd.f32 v11, v14  }
0x38: {  	v12 =	vor.u32 $0x80, v16;
	v13 =	vld.idx.msk [tilespmem:v24+s12+$0x0], $0xffff  }
.Ltmp0:
0x39: {  	v18 =	vor.u32 s22, v5;
	v8 =	vld.idx.msk [tilespmem:v8+s12+$0x0], $0xffff;
	v14 =	vadd.f32 v10, v9;
	v19 =	vadd.f32 v22, v11;
	(pc) =	sbr.rel @p0 .LBB2_3-.Ltmp0, $4  }
0x3a: {  	v17 =	vmov s22;
	s21 =	sadd.s32 $0x3, s22;
	v6 =	vmov v20;
	v9 =	vld.idx.msk [tilespmem:v21+s12+$0x0], $0xffff  }
0x3b: {  	s23 =	sadd.s32 $0x2, s22;
	v20 =	vor.u32 s21, v5;
	v11 =	vld.idx.msk [tilespmem:v15+s12+$0x0], $0xffff  }
0x3c: {  	s24 =	sadd.s32 $0x1, s22;
	v15 =	vor.u32 s23, v5;
	v10 =	vld.idx.msk [tilespmem:v16+s12+$0x0], $0xffff  }
0x3d: {  	s22 =	sadd.s32 $0x4, s22;
	v22 =	vmul.f32 v25, v23;
	v16 =	vor.u32 s24, v5;
	v21 =	vmul.f32 v26, v23;
	v12 =	vld.idx.msk [tilespmem:v12+s12+$0x0], $0xffff  }
0x3e: {  	_ =	sdelay $0x3  }
0x3f: {  	v5 =	vld.idx.msk [tilespmem:v18+s4+$0x0], $0xffff;
	v42 =	vor.u32 $0x80, v17  }
0x40: {  	v23 =	vmov s24;
	v43 =	vld.idx.msk [tilespmem:v17+s12+$0x0], $0xffff  }
0x41: {  	v20 =	vld.idx.msk [tilespmem:v20+s4+$0x0], $0xffff;
	v24 =	vor.u32 $0x80, v23  }
0x42: {  	v13 =	vmul.f32 v13, v7;
	v44 =	vmov s23;
	v15 =	vld.idx.msk [tilespmem:v15+s4+$0x0], $0xffff;
	v14 =	vadd.f32 v22, v14  }
0x43: {  	v45 =	vmul.f32 v8, v7;
	v46 =	vld.idx.msk [tilespmem:v16+s4+$0x0], $0xffff;
	v19 =	vadd.f32 v21, v19;
	v47 =	vor.u32 $0x80, v44  }
0x44: {  	v48 =	vmov s21;
	v9 =	vmul.f32 v9, v4;
	v13 =	vadd.f32 v13, v14;
	v18 =	vld.idx.msk [tilespmem:v42+s12+$0x0], $0xffff  }
0x45: {  	v51 =	vor.u32 $0x80, v48;
	v49 =	vmul.f32 v11, v4;
	v7 =	vadd.f32 v45, v19;
	v50 =	vld.idx.msk [tilespmem:v23+s12+$0x0], $0xffff  }
0x46: {  	v10 =	vmul.f32 v10, v6;
	v9 =	vadd.f32 v9, v13;
	v52 =	vld.idx.msk [tilespmem:v24+s12+$0x0], $0xffff  }
0x47: {  	v53 =	vmul.f32 v12, v6;
	v4 =	vadd.f32 v49, v7;
	v54 =	vld.idx.msk [tilespmem:v44+s12+$0x0], $0xffff  }
0x48: {  	v56 =	vmul.f32 v43, v5;
	v55 =	vld.idx.msk [tilespmem:v47+s12+$0x0], $0xffff;
	v9 =	vadd.f32 v10, v9  }
0x49: {  	v57 =	vld.idx.msk [tilespmem:v48+s12+$0x0], $0xffff;
	v4 =	vadd.f32 v53, v4;
	v5 =	vmul.f32 v18, v5  }
0x4a: {  	v58 =	vld.idx.msk [tilespmem:v51+s12+$0x0], $0xffff;
	v9 =	vadd.f32 v56, v9;
	v11 =	vmul.f32 v50, v46  }
0x4b: {  	v59 =	vmul.f32 v52, v46;
	v4 =	vadd.f32 v5, v4  }
0x4c: {  	v7 =	vmul.f32 v54, v15;
	v60 =	vadd.f32 v11, v9  }
0x4d: {  	v3 =	vshll.u32 v3, $0x1;
	s20 =	sadd.s32 $0x1, s20;
	v61 =	vmul.f32 v55, v15;
	v4 =	vadd.f32 v59, v4  }
0x4e: {  	v62 =	vor.u32 $0x1, v3;
	p0 =	sne.s32 s20, $0x14;
	v6 =	vmul.f32 v57, v20;
	v7 =	vadd.f32 v7, v60  }
.Ltmp1:
0x4f: {  	v63 =	vmul.f32 v58, v20;
	v4 =	vadd.f32 v61, v4;
	(pc) =	sbr.rel @p0 .LBB2_2-.Ltmp1, $4  }
0x50: {  	v6 =	vadd.f32 v6, v7  }
0x51: {  	v4 =	vadd.f32 v63, v4  }
0x52: {  	[tilespmem:v3+s16+$0x0] =	vst.idx.msk $0xffff, v6  }
0x53: {  	[tilespmem:v62+s16+$0x0] =	vst.idx.msk $0xffff, v4  }
0x54: {  	s20 =	simm.s32 $0x0  }
0x55: {  	[tilespmem:s20], [sflag:$0x1] =	stream.linear.gather [hbm4b:s8+s20], $0xA000, $0x38;
	[tilespmem:$0x16FE8] =	vst v63  }
0x56: {  	_ =	swait.ge [sflag:s13], $0xA000  }
0x57: {  	[sflag:s13] =	ssyncset.done $0x0  }
0x58: {  	s21 =	simm.s32 $0x0;
	[sflag:s13] =	ssyncadd.s32 $0xFFFF6000  }
.LBB2_6:
0x59: {  	s22 =	sshll.u32 s21, $0x4;
	v4 =	vmov s20  }
0x5a: {  	s25 =	simm.s32 $0x1;
	v3 =	vmov s22;
	v9 =	vor.u32 $0x80, v4  }
0x5b: {  	s23 =	simm.s32 $0x3;
	v10 =	vmov s25;
	v3 =	vshll.u32 v3, $0x7  }
0x5c: {  	v20 =	vmov s23;
	v5 =	vor.u32 v1, v3  }
0x5d: {  	v3 =	vor.u32 s20, v5  }
0x5e: {  	s24 =	simm.s32 $0x2;
	v6 =	vor.u32 s23, v5;
	v18 =	vld.idx.msk [tilespmem:v4+s12+$0x0], $0xffff  }
0x5f: {  	v7 =	vor.u32 s24, v5;
	v22 =	vld.idx.msk [tilespmem:v9+s12+$0x0], $0xffff  }
0x60: {  	v8 =	vor.u32 s25, v5;
	v12 =	vld.idx.msk [tilespmem:v10+s12+$0x0], $0xffff  }
0x61: {  	v13 =	vor.u32 $0x80, v10;
	v9 =	vld.idx.msk [tilespmem:v20+s12+$0x0], $0xffff  }
0x62: {  	v14 =	vmov s24;
	v11 =	vld.idx.msk [tilespmem:v3+s4+$0x0], $0xffff  }
0x63: {  	v15 =	vor.u32 $0x80, v14;
	v4 =	vld.idx.msk [tilespmem:v6+s4+$0x0], $0xffff  }
0x64: {  	s31 =	simm.s32 $0x4;
	v23 =	vor.u32 $0x80, v20;
	v3 =	vld.idx.msk [tilespmem:v7+s4+$0x0], $0xffff  }
0x65: {  	v17 =	vor.u32 s31, v5;
	v6 =	vld.idx.msk [tilespmem:v8+s4+$0x0], $0xffff  }
0x66: {  	s23 =	simm.s32 $0x7;
	v7 =	vld.idx.msk [tilespmem:v13+s12+$0x0], $0xffff  }
0x67: {  	s26 =	simm.s32 $0x5;
	v16 =	vmov s31;
	s25 =	simm.s32 $0x6;
	v19 =	vor.u32 s23, v5;
	v8 =	vld.idx.msk [tilespmem:v14+s12+$0x0], $0xffff  }
0x68: {  	v10 =	vld.idx.msk [tilespmem:v15+s12+$0x0], $0xffff;
	v15 =	vor.u32 s26, v5;
	v13 =	vimm.f32 $0.0e+00;
	v14 =	vor.u32 s25, v5  }
0x69: {  	s24 =	simm.s32 $0x8;
	v21 =	vmul.f32 v18, v11;
	v20 =	vmul.f32 v22, v11;
	v11 =	vld.idx.msk [tilespmem:v23+s12+$0x0], $0xffff;
	v18 =	vimm.f32 $0.0e+00  }
.LBB2_7:
0x6a: {  	p0 =	slt.u32 s24, $0x7C;
	v22 =	vld.idx.msk [tilespmem:v17+s4+$0x0], $0xffff;
	v17 =	vor.u32 $0x80, v16;
	v23 =	vmov s26;
	v12 =	vmul.f32 v12, v6  }
0x6b: {  	v6 =	vmul.f32 v7, v6;
	v24 =	vld.idx.msk [tilespmem:v16+s12+$0x0], $0xffff;
	v13 =	vadd.f32 v21, v13;
	v16 =	vadd.f32 v20, v18  }
0x6c: {  	v7 =	vor.u32 $0x80, v23;
	v20 =	vmov s25;
	v8 =	vmul.f32 v8, v3;
	v19 =	vld.idx.msk [tilespmem:v19+s4+$0x0], $0xffff  }
0x6d: {  	v10 =	vmul.f32 v10, v3;
	v12 =	vadd.f32 v12, v13;
	v13 =	vadd.f32 v6, v16;
	v3 =	vld.idx.msk [tilespmem:v14+s4+$0x0], $0xffff  }
0x6e: {  	v14 =	vor.u32 $0x80, v20;
	v9 =	vmul.f32 v9, v4;
	v6 =	vld.idx.msk [tilespmem:v15+s4+$0x0], $0xffff;
	v15 =	vmov s23  }
0x6f: {  	v21 =	vmul.f32 v11, v4;
	v25 =	vld.idx.msk [tilespmem:v17+s12+$0x0], $0xffff;
	v8 =	vadd.f32 v8, v12;
	v10 =	vadd.f32 v10, v13  }
0x70: {  	v11 =	vor.u32 $0x80, v15;
	v12 =	vld.idx.msk [tilespmem:v23+s12+$0x0], $0xffff  }
.Ltmp2:
0x71: {  	v17 =	vor.u32 s24, v5;
	v7 =	vld.idx.msk [tilespmem:v7+s12+$0x0], $0xffff;
	v13 =	vadd.f32 v9, v8;
	v18 =	vadd.f32 v21, v10;
	(pc) =	sbr.rel @p0 .LBB2_7-.Ltmp2, $4  }
0x72: {  	v16 =	vmov s24;
	s23 =	sadd.s32 $0x3, s24;
	v4 =	vmov v19;
	v8 =	vld.idx.msk [tilespmem:v20+s12+$0x0], $0xffff  }
0x73: {  	s25 =	sadd.s32 $0x2, s24;
	v19 =	vor.u32 s23, v5;
	v10 =	vld.idx.msk [tilespmem:v14+s12+$0x0], $0xffff  }
0x74: {  	s26 =	sadd.s32 $0x1, s24;
	v14 =	vor.u32 s25, v5;
	v9 =	vld.idx.msk [tilespmem:v15+s12+$0x0], $0xffff  }
0x75: {  	s24 =	sadd.s32 $0x4, s24;
	v21 =	vmul.f32 v24, v22;
	v15 =	vor.u32 s26, v5;
	v20 =	vmul.f32 v25, v22;
	v11 =	vld.idx.msk [tilespmem:v11+s12+$0x0], $0xffff  }
0x76: {  	_ =	sdelay $0x3  }
0x77: {  	v5 =	vld.idx.msk [tilespmem:v17+s4+$0x0], $0xffff;
	v43 =	vor.u32 $0x80, v16  }
0x78: {  	v22 =	vmov s26;
	v44 =	vld.idx.msk [tilespmem:v16+s12+$0x0], $0xffff  }
0x79: {  	v19 =	vld.idx.msk [tilespmem:v19+s4+$0x0], $0xffff;
	v23 =	vor.u32 $0x80, v22  }
0x7a: {  	v12 =	vmul.f32 v12, v6;
	v45 =	vmov s25;
	v14 =	vld.idx.msk [tilespmem:v14+s4+$0x0], $0xffff;
	v13 =	vadd.f32 v21, v13  }
0x7b: {  	v46 =	vmul.f32 v7, v6;
	v47 =	vld.idx.msk [tilespmem:v15+s4+$0x0], $0xffff;
	v18 =	vadd.f32 v20, v18;
	v48 =	vor.u32 $0x80, v45  }
0x7c: {  	v49 =	vmov s23;
	v8 =	vmul.f32 v8, v3;
	v12 =	vadd.f32 v12, v13;
	v17 =	vld.idx.msk [tilespmem:v43+s12+$0x0], $0xffff  }
0x7d: {  	v51 =	vor.u32 $0x80, v49;
	v3 =	vmul.f32 v10, v3;
	v6 =	vadd.f32 v46, v18;
	v50 =	vld.idx.msk [tilespmem:v22+s12+$0x0], $0xffff  }
0x7e: {  	v9 =	vmul.f32 v9, v4;
	v8 =	vadd.f32 v8, v12;
	v52 =	vld.idx.msk [tilespmem:v23+s12+$0x0], $0xffff  }
0x7f: {  	v53 =	vmul.f32 v11, v4;
	v3 =	vadd.f32 v3, v6;
	v54 =	vld.idx.msk [tilespmem:v45+s12+$0x0], $0xffff  }
0x80: {  	v56 =	vmul.f32 v44, v5;
	v55 =	vld.idx.msk [tilespmem:v48+s12+$0x0], $0xffff;
	v8 =	vadd.f32 v9, v8  }
0x81: {  	v57 =	vld.idx.msk [tilespmem:v49+s12+$0x0], $0xffff;
	v3 =	vadd.f32 v53, v3;
	v5 =	vmul.f32 v17, v5  }
0x82: {  	s22 =	sadd.s32 $0x140, s22;
	v58 =	vld.idx.msk [tilespmem:v51+s12+$0x0], $0xffff;
	v8 =	vadd.f32 v56, v8;
	v10 =	vmul.f32 v50, v47  }
0x83: {  	v60 =	vmov s22;
	v59 =	vmul.f32 v52, v47;
	v3 =	vadd.f32 v5, v3  }
0x84: {  	v7 =	vshll.u32 v60, $0x1;
	v6 =	vmul.f32 v54, v14;
	v8 =	vadd.f32 v10, v8  }
0x85: {  	s21 =	sadd.s32 $0x1, s21;
	v7 =	vor.u32 v2, v7;
	v61 =	vmul.f32 v55, v14;
	v3 =	vadd.f32 v59, v3  }
0x86: {  	p0 =	sne.s32 s21, $0x14;
	v62 =	vor.u32 $0x1, v7;
	v4 =	vmul.f32 v57, v19;
	v6 =	vadd.f32 v6, v8  }
.Ltmp3:
0x87: {  	v63 =	vmul.f32 v58, v19;
	v3 =	vadd.f32 v61, v3;
	(pc) =	sbr.rel @p0 .LBB2_6-.Ltmp3, $4  }
0x88: {  	v4 =	vadd.f32 v4, v6  }
0x89: {  	v3 =	vadd.f32 v63, v3  }
0x8a: {  	[tilespmem:v7+s16+$0x0] =	vst.idx.msk $0xffff, v4  }
0x8b: {  	[tilespmem:v62+s16+$0x0] =	vst.idx.msk $0xffff, v3  }
0x8c: {  	[spmem:s9] =	stream.linear.scatter [tilespmem:s16], [sflag:$0x1], $0x500, $0x38;
	[tilespmem:$0x16FE8] =	vst v63  }
0x8d: {  	_ =	swait.ge [sflag:s13], $0x500  }
0x8e: {  	[sflag:s13] =	ssyncset.done $0x0  }
0x8f: {  	[sflag:s13] =	ssyncadd.s32 $0xFFFFFB00  }
0x90: {  	[bflag:$0x0] =	sbarrier.arrive $0xFFFF  }
0x91: {  	[tilespmem:s17], [sflag:$0x1] =	stream.linear.gather [spmem:s3], $0x4E80, $0x38;
	[tilespmem:$0x16FE8] =	vst v63  }
0x92: {  	_ =	swait.ge [sflag:s13], $0x4E80  }
0x93: {  	s20 =	simm.s32 $0xFFFFFFFC;
	s21 =	simm.s32 $0x143A0;
	[sflag:s13] =	ssyncset.done $0x0  }
0x94: {  	s22 =	simm.s32 $0x11C20;
	s23 =	simm.s32 $0xF4A0;
	[sflag:s13] =	ssyncadd.s32 $0xFFFFB180  }
.LBB2_10:
0x95: {  	v3 =	vld [tilespmem:s23+$0xFFFFFFE0]  }
0x96: {  	v4 =	vld [tilespmem:s22+$0xFFFFFFE0];
	_ =	sdelay $0x4  }
0x97: {  	v3 =	vshll.u32 v3, $0x1;
	v4 =	vshll.u32 v4, $0x1  }
0x98: {  	v4 =	vor.u32 $0x1, v4;
	_ =	sdelay $0x3  }
0x99: {  	v3 =	vld.idx.msk [tilespmem:v3+s17+$0x0], $0xffff  }
0x9a: {  	v4 =	vld.idx.msk [tilespmem:v4+s17+$0x0], $0xffff;
	_ =	sdelay $0x4  }
0x9b: {  	v3 =	vadd.f32 v4, v3;
	_ =	sdelay $0x1  }
0x9c: {  	[tilespmem:s21+$0xFFFFFFE0] =	vst v3  }
0x9d: {  	v3 =	vld [tilespmem:s23+$0xFFFFFFF0]  }
0x9e: {  	v61 =	vld [tilespmem:s22+$0xFFFFFFF0];
	_ =	sdelay $0x4  }
0x9f: {  	v3 =	vshll.u32 v3, $0x1;
	v4 =	vshll.u32 v61, $0x1  }
0xa0: {  	v4 =	vor.u32 $0x1, v4;
	_ =	sdelay $0x3  }
0xa1: {  	v3 =	vld.idx.msk [tilespmem:v3+s17+$0x0], $0xffff  }
0xa2: {  	v4 =	vld.idx.msk [tilespmem:v4+s17+$0x0], $0xffff;
	_ =	sdelay $0x4  }
0xa3: {  	v3 =	vadd.f32 v4, v3;
	_ =	sdelay $0x1  }
0xa4: {  	[tilespmem:s21+$0xFFFFFFF0] =	vst v3  }
0xa5: {  	v3 =	vld [tilespmem:s23+$0x0]  }
0xa6: {  	v62 =	vld [tilespmem:s22+$0x0];
	_ =	sdelay $0x4  }
0xa7: {  	v3 =	vshll.u32 v3, $0x1;
	v4 =	vshll.u32 v62, $0x1  }
0xa8: {  	v4 =	vor.u32 $0x1, v4;
	_ =	sdelay $0x3  }
0xa9: {  	v3 =	vld.idx.msk [tilespmem:v3+s17+$0x0], $0xffff  }
0xaa: {  	v4 =	vld.idx.msk [tilespmem:v4+s17+$0x0], $0xffff;
	_ =	sdelay $0x4  }
0xab: {  	v3 =	vadd.f32 v4, v3;
	_ =	sdelay $0x1  }
0xac: {  	[tilespmem:s21+$0x0] =	vst v3  }
0xad: {  	v3 =	vld [tilespmem:s23+$0x10]  }
0xae: {  	v63 =	vld [tilespmem:s22+$0x10];
	_ =	sdelay $0x4  }
0xaf: {  	v3 =	vshll.u32 v3, $0x1;
	v4 =	vshll.u32 v63, $0x1  }
0xb0: {  	v4 =	vor.u32 $0x1, v4;
	_ =	sdelay $0x3  }
0xb1: {  	v3 =	vld.idx.msk [tilespmem:v3+s17+$0x0], $0xffff  }
0xb2: {  	v4 =	vld.idx.msk [tilespmem:v4+s17+$0x0], $0xffff  }
0xb3: {  	s20 =	sadd.s32 $0x4, s20  }
0xb4: {  	p0 =	slt.u32 s20, $0x26C  }
.Ltmp4:
0xb5: {  	_ = 	snop;
	(pc) =	sbr.rel @p0 .LBB2_10-.Ltmp4, $3  }
0xb6: {  	_ = 	snop  }
0xb7: {  	v3 =	vadd.f32 v4, v3;
	_ =	sdelay $0x1  }
0xb8: {  	s22 =	sadd.s32 $0x40, s22;
	s23 =	sadd.s32 $0x40, s23;
	[tilespmem:s21+$0x10] =	vst v3;
	s21 =	sadd.s32 $0x40, s21  }
0xb9: {  	v3 =	vld [tilespmem:$0x11B80]  }
0xba: {  	v4 =	vld [tilespmem:$0x14300];
	_ =	sdelay $0x4  }
0xbb: {  	v3 =	vshll.u32 v3, $0x1;
	v4 =	vshll.u32 v4, $0x1  }
0xbc: {  	v4 =	vor.u32 $0x1, v4;
	_ =	sdelay $0x3  }
0xbd: {  	v3 =	vld.idx.msk [tilespmem:v3+s17+$0x0], $0xffff  }
0xbe: {  	v4 =	vld.idx.msk [tilespmem:v4+s17+$0x0], $0xffff;
	_ =	sdelay $0x4  }
0xbf: {  	s19 =	sadd.s32 $0x1, s19;
	v3 =	vadd.f32 v4, v3  }
0xc0: {  	p0 =	sne.s32 s19, s11  }
.Ltmp5:
0xc1: {  	[tilespmem:$0x16A80] =	vst v3;
	(pc) =	sbr.rel @p0 .LBB2_1-.Ltmp5, $4  }
0xc2: {  	[hbm4b:s10+s4] =	stream.linear.scatter [tilespmem:s18], [sflag:$0x1], $0x2710, $0x38;
	[tilespmem:$0x16FE8] =	vst v63  }
0xc3: {  	_ =	swait.ge [sflag:s13], $0x2710  }
0xc4: {  	[sflag:s13] =	ssyncset.done $0x0  }
0xc5: {  	[sflag:s13] =	ssyncadd.s32 $0xFFFFD8F0  }
0xc6: {  	_ =	sfence.sel $0x180000  }
0xc7: {  	[bflag:$0x0] =	sbarrier.arrive $0xFFFF  }
0xc8: {  	p0 =	sne.s32 s1, $0x0;
	_ =	strace $0x90000047  }
0xc9: {  	s0 =	sadd.s32 @!p0 $0x100000, s0;
	[bflag:$0x2] =	sbarrier.arrive $0xFFFF  }
0xca: {  	[sflag:s0] =	ssyncadd.tile.s32 @!p0 $0x1;
	_ =	shalt  }
.Lfunc_end2:
_tile_overlayer_lowered:
.L_overlay_start_2:
0xcb: {  	(tag) =	ssettag $0x2  }
0xcc: {  	s0 =	rddreg [dreg:$0x0];
	s2 =	stileid.u32  }
0xcd: {  	s1 =	rddreg [dreg:$0x1];
	p0 =	sne.s32 s2, $0x0  }
0xce: {  	s3 =	rddreg [dreg:$0x2];
	[bflag:$0x3] =	sbarrier.arrive $0xFFFF;
	s2 =	simm.s32 @!p0 $0x1C01  }
0xcf: {  	[timem:s3], [sflag:s2] =	dma.local @!p0 [hbm:s0], s1  }
0xd0: {  	s0 =	simm.s32 @!p0 $0x1  }
0xd1: {  	_ =	swait.ge @!p0 [sflag:s0], s1  }
0xd2: {  	s1 =	ssub.s32 @!p0 $0x0, s1;
	[sflag:s0] =	ssyncset.done @!p0 $0x0  }
0xd3: {  	[sflag:s0] =	ssyncadd.s32 @!p0 s1  }
0xd4: {  	[bflag:$0x3] =	sbarrier.arrive $0xFFFF  }
0xd5: {  	_ =	shalt  }

</sc_bundles>
